<compile_context>
chip_gen: v7x
topology: tpu7x:2x2x1
jax: 0.10.2.dev20260603
libtpu: 0.0.44.dev20260713+nightly
codegen_flags: <defaults>
</compile_context>

<pallas_src>
import functools

import jax
import jax.numpy as jnp
from jax import lax
from jax.experimental import pallas as pl
from jax.experimental.pallas import tpu as pltpu
from jax.experimental.pallas import tpu_sc as plsc

B = 16384
D = 128
NC = 2
NS = 16
NW = NC * NS
BPW = B // NW
CHUNK = 128
NCHUNK = BPW // CHUNK
GROUPS = CHUNK // 16

_mesh = plsc.VectorSubcoreMesh(core_axis_name="c", subcore_axis_name="s")


@functools.partial(
    pl.kernel,
    mesh=_mesh,
    out_type=jax.ShapeDtypeStruct((B,), jnp.float32),
    compiler_params=pltpu.CompilerParams(needs_layout_passes=False),
    scratch_types=[
        pltpu.VMEM((NCHUNK, CHUNK), jnp.int32),
        pltpu.VMEM((NCHUNK, CHUNK), jnp.int32),
        pltpu.VMEM((CHUNK, D), jnp.float32),
        pltpu.VMEM((CHUNK, D), jnp.float32),
        pltpu.VMEM((CHUNK, D), jnp.float32),
        pltpu.VMEM((CHUNK, D), jnp.float32),
        pltpu.VMEM((CHUNK, D), jnp.float32),
        pltpu.VMEM((CHUNK, D), jnp.float32),
        pltpu.VMEM((BPW,), jnp.float32),
        pltpu.SemaphoreType.DMA,
        pltpu.SemaphoreType.DMA,
        pltpu.SemaphoreType.DMA,
        pltpu.SemaphoreType.DMA,
        pltpu.SemaphoreType.DMA,
        pltpu.SemaphoreType.DMA,
    ],
)
def _sc_dot(uidx_hbm, iidx_hbm, utab_hbm, itab_hbm, out_hbm,
            uidx_v, iidx_v, urows_a, urows_b, urows_c,
            irows_a, irows_b, irows_c, out_v,
            sem_ua, sem_ub, sem_uc, sem_ia, sem_ib, sem_ic):
    wid = lax.axis_index("s") * NC + lax.axis_index("c")
    ci_u = pltpu.async_copy(uidx_hbm.at[pl.ds(wid * NCHUNK, NCHUNK)], uidx_v, sem_ua)
    ci_i = pltpu.async_copy(iidx_hbm.at[pl.ds(wid * NCHUNK, NCHUNK)], iidx_v, sem_ia)
    ci_u.wait()
    ci_i.wait()

    lane = lax.iota(jnp.int32, 16)

    NBUF = 3
    ubufs, ibufs = (urows_a, urows_b, urows_c), (irows_a, irows_b, irows_c)
    usems, isems = (sem_ua, sem_ub, sem_uc), (sem_ia, sem_ib, sem_ic)

    def start(k):
        b = k % NBUF
        return (pltpu.async_copy(utab_hbm.at[uidx_v.at[k]], ubufs[b], usems[b]),
                pltpu.async_copy(itab_hbm.at[iidx_v.at[k]], ibufs[b], isems[b]))

    pending = [start(k) for k in range(min(NBUF - 1, NCHUNK))]
    for k in range(NCHUNK):
        nk = k + NBUF - 1
        if nk < NCHUNK:
            pending.append(start(nk))
        hu, hi = pending.pop(0)
        hu.wait()
        hi.wait()
        urows, irows = ubufs[k % NBUF], ibufs[k % NBUF]

        @plsc.parallel_loop(0, GROUPS)
        def group_body(g, k=k, urows=urows, irows=irows):
            row = g * 16 + lane
            zero = jnp.zeros((16,), jnp.float32)

            def d_body(d16, carry):
                acc = list(carry)
                for j in range(16):
                    col = (lane + (d16 * 16 + j)) & (D - 1)
                    u = plsc.load_gather(urows, [row, col])
                    v = plsc.load_gather(irows, [row, col])
                    acc[j % 2] = acc[j % 2] + u * v
                return tuple(acc)

            acc = lax.fori_loop(0, D // 16, d_body, (zero, zero))
            out_v[pl.ds(k * CHUNK + g * 16, 16)] = acc[0] + acc[1]

    pltpu.sync_copy(out_v, out_hbm.at[pl.ds(wid * BPW, BPW)])


def kernel(user_idx, item_idx, user_table, item_table):
    return _sc_dot(user_idx.reshape(B // CHUNK, CHUNK),
                   item_idx.reshape(B // CHUNK, CHUNK),
                   user_table, item_table)

# --- scband reference (transcript-rebuilt; emitter-appended) ---
"""Pipeline reference for scband-matrix-factorization-sgd-53472342835326 (READ-ONLY COPY).

The authoritative reference and input builder live on the scoring server;
editing this copy changes nothing except your own understanding.
"""

import jax, jax.numpy as jnp
import numpy as np

N_USERS = 1000000
N_ITEMS = 1000000
FACTOR_DIM = 128
BATCH = 16384


def setup_inputs(seed: int = 0) -> dict:
    key = jax.random.key(seed)
    k1, k2, k3, k4 = jax.random.split(key, 4)
    user_idx = jax.random.randint(k1, (BATCH,), 0, N_USERS, dtype=jnp.int64 if jax.config.jax_enable_x64 else jnp.int32).astype(jnp.int32)
    item_idx = jax.random.randint(k2, (BATCH,), 0, N_ITEMS, dtype=jnp.int64 if jax.config.jax_enable_x64 else jnp.int32).astype(jnp.int32)
    # Embedding tables (Keras Embedding default init: uniform [-0.05, 0.05])
    user_table = jax.random.uniform(k3, (N_USERS, FACTOR_DIM), dtype=jnp.float32, minval=-0.05, maxval=0.05)
    item_table = jax.random.uniform(k4, (N_ITEMS, FACTOR_DIM), dtype=jnp.float32, minval=-0.05, maxval=0.05)
    return {"user_idx": user_idx, "item_idx": item_idx, "user_table": user_table, "item_table": item_table}


def reference(user_idx, item_idx, user_table, item_table):
    # user_vec = self.user_factor(user_idx) -> gather
    user_vec = jnp.take(user_table, user_idx, axis=0)  # [B, D]
    # item_vec = self.item_factor(item_idx) -> gather
    item_vec = jnp.take(item_table, item_idx, axis=0)  # [B, D]
    # tf.reduce_sum(tf.multiply(item_vec, user_vec), 1)
    return jnp.sum(item_vec * user_vec, axis=1)  # [B]

if __name__ == "__main__":
    import jax
    _d = setup_inputs()
    print(jax.jit(kernel)(*tuple(_d.values())))

</pallas_src>

<mosaic_0001>
#map = affine_map<(d0, d1) -> (0, 0)>
#map1 = affine_map<(d0, d1) -> (0)>
module attributes {stable_mosaic.version = 14 : i64} {
  func.func @_sc_dot(%arg0: i32, %arg1: i32, %arg2: memref<128x128xi32, #tpu.memory_space<hbm>>, %arg3: memref<128x128xi32, #tpu.memory_space<hbm>>, %arg4: memref<1000000x128xf32, #tpu.memory_space<hbm>>, %arg5: memref<1000000x128xf32, #tpu.memory_space<hbm>>, %arg6: memref<16384xf32, #tpu.memory_space<hbm>>, %arg7: memref<4x128xi32, #tpu.memory_space<vmem>>, %arg8: memref<4x128xi32, #tpu.memory_space<vmem>>, %arg9: memref<128x128xf32, #tpu.memory_space<vmem>>, %arg10: memref<128x128xf32, #tpu.memory_space<vmem>>, %arg11: memref<128x128xf32, #tpu.memory_space<vmem>>, %arg12: memref<128x128xf32, #tpu.memory_space<vmem>>, %arg13: memref<128x128xf32, #tpu.memory_space<vmem>>, %arg14: memref<128x128xf32, #tpu.memory_space<vmem>>, %arg15: memref<512xf32, #tpu.memory_space<vmem>>, %arg16: memref<!tpu.dma_semaphore, #tpu.memory_space<semaphore_mem>>, %arg17: memref<!tpu.dma_semaphore, #tpu.memory_space<semaphore_mem>>, %arg18: memref<!tpu.dma_semaphore, #tpu.memory_space<semaphore_mem>>, %arg19: memref<!tpu.dma_semaphore, #tpu.memory_space<semaphore_mem>>, %arg20: memref<!tpu.dma_semaphore, #tpu.memory_space<semaphore_mem>>, %arg21: memref<!tpu.dma_semaphore, #tpu.memory_space<semaphore_mem>>) attributes {dimension_semantics = [#tpu.dimension_semantics<core_parallel>, #tpu.dimension_semantics<subcore_parallel>], iteration_bounds = array<i64: 2, 16>, scalar_prefetch = 0 : i64, scratch_operands = 15 : i64, tpu.core_type = #tpu.core_type<sc_vector_subcore>, window_params = [{transform_indices = #map}, {transform_indices = #map}, {transform_indices = #map}, {transform_indices = #map}, {transform_indices = #map1}]} {
    %mul3A = arith.constant 2 : i32
    %mul3A_0 = arith.muli %arg1, %mul3A : i32
    %add3A = arith.addi %mul3A_0, %arg0 : i32
    %mul3A_1 = arith.constant 4 : i32
    %mul3A_2 = arith.muli %add3A, %mul3A_1 : i32
    %dma_start3A = arith.constant 0 : i32
    %dma_start3A_3 = tpu.memref_slice %arg2[%mul3A_2, %dma_start3A] : memref<128x128xi32, #tpu.memory_space<hbm>> -> memref<4x128xi32, #tpu.memory_space<hbm>>
    %dma_start3A_4 = arith.constant 0 : i32
    %dma_start3A_5 = tpu.memref_slice %arg2[%mul3A_2, %dma_start3A_4] : memref<128x128xi32, #tpu.memory_space<hbm>> -> memref<4x128xi32, #tpu.memory_space<hbm>>
    tpu.enqueue_dma source(%dma_start3A_5 : memref<4x128xi32, #tpu.memory_space<hbm>>) target(%arg7 : memref<4x128xi32, #tpu.memory_space<vmem>>) target_semaphore(%arg16 : memref<!tpu.dma_semaphore, #tpu.memory_space<semaphore_mem>>)
    %mul3A_6 = arith.constant 4 : i32
    %mul3A_7 = arith.muli %add3A, %mul3A_6 : i32
    %dma_start3A_8 = arith.constant 0 : i32
    %dma_start3A_9 = tpu.memref_slice %arg3[%mul3A_7, %dma_start3A_8] : memref<128x128xi32, #tpu.memory_space<hbm>> -> memref<4x128xi32, #tpu.memory_space<hbm>>
    %dma_start3A_10 = arith.constant 0 : i32
    %dma_start3A_11 = tpu.memref_slice %arg3[%mul3A_7, %dma_start3A_10] : memref<128x128xi32, #tpu.memory_space<hbm>> -> memref<4x128xi32, #tpu.memory_space<hbm>>
    tpu.enqueue_dma source(%dma_start3A_11 : memref<4x128xi32, #tpu.memory_space<hbm>>) target(%arg8 : memref<4x128xi32, #tpu.memory_space<vmem>>) target_semaphore(%arg19 : memref<!tpu.dma_semaphore, #tpu.memory_space<semaphore_mem>>)
    %dma_wait3A = arith.constant 0 : i32
    %dma_wait3A_12 = tpu.memref_slice %arg2[%mul3A_2, %dma_wait3A] : memref<128x128xi32, #tpu.memory_space<hbm>> -> memref<4x128xi32, #tpu.memory_space<hbm>>
    %dma_wait3A_13 = arith.constant 0 : i32
    %dma_wait3A_14 = tpu.memref_slice %arg2[%mul3A_2, %dma_wait3A_13] : memref<128x128xi32, #tpu.memory_space<hbm>> -> memref<4x128xi32, #tpu.memory_space<hbm>>
    tpu.wait_dma2 semaphore(%arg16 : memref<!tpu.dma_semaphore, #tpu.memory_space<semaphore_mem>>) src(%dma_wait3A_14 : memref<4x128xi32, #tpu.memory_space<hbm>>) dst(%arg7 : memref<4x128xi32, #tpu.memory_space<vmem>>)
    %dma_wait3A_15 = arith.constant 0 : i32
    %dma_wait3A_16 = tpu.memref_slice %arg3[%mul3A_7, %dma_wait3A_15] : memref<128x128xi32, #tpu.memory_space<hbm>> -> memref<4x128xi32, #tpu.memory_space<hbm>>
    %dma_wait3A_17 = arith.constant 0 : i32
    %dma_wait3A_18 = tpu.memref_slice %arg3[%mul3A_7, %dma_wait3A_17] : memref<128x128xi32, #tpu.memory_space<hbm>> -> memref<4x128xi32, #tpu.memory_space<hbm>>
    tpu.wait_dma2 semaphore(%arg19 : memref<!tpu.dma_semaphore, #tpu.memory_space<semaphore_mem>>) src(%dma_wait3A_18 : memref<4x128xi32, #tpu.memory_space<hbm>>) dst(%arg8 : memref<4x128xi32, #tpu.memory_space<vmem>>)
    %iota3A = tpu.iota {dimensions = array<i32: 0>} : vector<16xi32>
    %dma_start3A_19 = arith.constant 0 : i32
    %dma_start3A_20 = arith.constant 0 : i32
    %dma_start3A_21 = tpu.memref_slice %arg7[%dma_start3A_19, %dma_start3A_20] : memref<4x128xi32, #tpu.memory_space<vmem>> -> memref<1x128xi32, #tpu.memory_space<vmem>>
    %dma_start3A_22 = tpu.memref_squeeze %dma_start3A_21 : memref<1x128xi32, #tpu.memory_space<vmem>> -> memref<128xi32, #tpu.memory_space<vmem>>
    %dma_start3A_23 = arith.constant 0 : i32
    %dma_start3A_24 = arith.constant 0 : i32
    %dma_start3A_25 = tpu.memref_slice %arg4[%dma_start3A_23, %dma_start3A_24] : memref<1000000x128xf32, #tpu.memory_space<hbm>> -> memref<1000000x128xf32, #tpu.memory_space<hbm>>
    tpu.enqueue_indirect_dma source(%dma_start3A_25 : memref<1000000x128xf32, #tpu.memory_space<hbm>>) target(%arg9 : memref<128x128xf32, #tpu.memory_space<vmem>>) offsets(%dma_start3A_22 : memref<128xi32, #tpu.memory_space<vmem>>) semaphore(%arg16 : memref<!tpu.dma_semaphore, #tpu.memory_space<semaphore_mem>>)
    %dma_start3A_26 = arith.constant 0 : i32
    %dma_start3A_27 = arith.constant 0 : i32
    %dma_start3A_28 = tpu.memref_slice %arg8[%dma_start3A_26, %dma_start3A_27] : memref<4x128xi32, #tpu.memory_space<vmem>> -> memref<1x128xi32, #tpu.memory_space<vmem>>
    %dma_start3A_29 = tpu.memref_squeeze %dma_start3A_28 : memref<1x128xi32, #tpu.memory_space<vmem>> -> memref<128xi32, #tpu.memory_space<vmem>>
    %dma_start3A_30 = arith.constant 0 : i32
    %dma_start3A_31 = arith.constant 0 : i32
    %dma_start3A_32 = tpu.memref_slice %arg5[%dma_start3A_30, %dma_start3A_31] : memref<1000000x128xf32, #tpu.memory_space<hbm>> -> memref<1000000x128xf32, #tpu.memory_space<hbm>>
    tpu.enqueue_indirect_dma source(%dma_start3A_32 : memref<1000000x128xf32, #tpu.memory_space<hbm>>) target(%arg12 : memref<128x128xf32, #tpu.memory_space<vmem>>) offsets(%dma_start3A_29 : memref<128xi32, #tpu.memory_space<vmem>>) semaphore(%arg19 : memref<!tpu.dma_semaphore, #tpu.memory_space<semaphore_mem>>)
    %dma_start3A_33 = arith.constant 1 : i32
    %dma_start3A_34 = arith.constant 0 : i32
    %dma_start3A_35 = tpu.memref_slice %arg7[%dma_start3A_33, %dma_start3A_34] : memref<4x128xi32, #tpu.memory_space<vmem>> -> memref<1x128xi32, #tpu.memory_space<vmem>>
    %dma_start3A_36 = tpu.memref_squeeze %dma_start3A_35 : memref<1x128xi32, #tpu.memory_space<vmem>> -> memref<128xi32, #tpu.memory_space<vmem>>
    %dma_start3A_37 = arith.constant 0 : i32
    %dma_start3A_38 = arith.constant 0 : i32
    %dma_start3A_39 = tpu.memref_slice %arg4[%dma_start3A_37, %dma_start3A_38] : memref<1000000x128xf32, #tpu.memory_space<hbm>> -> memref<1000000x128xf32, #tpu.memory_space<hbm>>
    tpu.enqueue_indirect_dma source(%dma_start3A_39 : memref<1000000x128xf32, #tpu.memory_space<hbm>>) target(%arg10 : memref<128x128xf32, #tpu.memory_space<vmem>>) offsets(%dma_start3A_36 : memref<128xi32, #tpu.memory_space<vmem>>) semaphore(%arg17 : memref<!tpu.dma_semaphore, #tpu.memory_space<semaphore_mem>>)
    %dma_start3A_40 = arith.constant 1 : i32
    %dma_start3A_41 = arith.constant 0 : i32
    %dma_start3A_42 = tpu.memref_slice %arg8[%dma_start3A_40, %dma_start3A_41] : memref<4x128xi32, #tpu.memory_space<vmem>> -> memref<1x128xi32, #tpu.memory_space<vmem>>
    %dma_start3A_43 = tpu.memref_squeeze %dma_start3A_42 : memref<1x128xi32, #tpu.memory_space<vmem>> -> memref<128xi32, #tpu.memory_space<vmem>>
    %dma_start3A_44 = arith.constant 0 : i32
    %dma_start3A_45 = arith.constant 0 : i32
    %dma_start3A_46 = tpu.memref_slice %arg5[%dma_start3A_44, %dma_start3A_45] : memref<1000000x128xf32, #tpu.memory_space<hbm>> -> memref<1000000x128xf32, #tpu.memory_space<hbm>>
    tpu.enqueue_indirect_dma source(%dma_start3A_46 : memref<1000000x128xf32, #tpu.memory_space<hbm>>) target(%arg13 : memref<128x128xf32, #tpu.memory_space<vmem>>) offsets(%dma_start3A_43 : memref<128xi32, #tpu.memory_space<vmem>>) semaphore(%arg20 : memref<!tpu.dma_semaphore, #tpu.memory_space<semaphore_mem>>)
    %dma_start3A_47 = arith.constant 2 : i32
    %dma_start3A_48 = arith.constant 0 : i32
    %dma_start3A_49 = tpu.memref_slice %arg7[%dma_start3A_47, %dma_start3A_48] : memref<4x128xi32, #tpu.memory_space<vmem>> -> memref<1x128xi32, #tpu.memory_space<vmem>>
    %dma_start3A_50 = tpu.memref_squeeze %dma_start3A_49 : memref<1x128xi32, #tpu.memory_space<vmem>> -> memref<128xi32, #tpu.memory_space<vmem>>
    %dma_start3A_51 = arith.constant 0 : i32
    %dma_start3A_52 = arith.constant 0 : i32
    %dma_start3A_53 = tpu.memref_slice %arg4[%dma_start3A_51, %dma_start3A_52] : memref<1000000x128xf32, #tpu.memory_space<hbm>> -> memref<1000000x128xf32, #tpu.memory_space<hbm>>
    tpu.enqueue_indirect_dma source(%dma_start3A_53 : memref<1000000x128xf32, #tpu.memory_space<hbm>>) target(%arg11 : memref<128x128xf32, #tpu.memory_space<vmem>>) offsets(%dma_start3A_50 : memref<128xi32, #tpu.memory_space<vmem>>) semaphore(%arg18 : memref<!tpu.dma_semaphore, #tpu.memory_space<semaphore_mem>>)
    %dma_start3A_54 = arith.constant 2 : i32
    %dma_start3A_55 = arith.constant 0 : i32
    %dma_start3A_56 = tpu.memref_slice %arg8[%dma_start3A_54, %dma_start3A_55] : memref<4x128xi32, #tpu.memory_space<vmem>> -> memref<1x128xi32, #tpu.memory_space<vmem>>
    %dma_start3A_57 = tpu.memref_squeeze %dma_start3A_56 : memref<1x128xi32, #tpu.memory_space<vmem>> -> memref<128xi32, #tpu.memory_space<vmem>>
    %dma_start3A_58 = arith.constant 0 : i32
    %dma_start3A_59 = arith.constant 0 : i32
    %dma_start3A_60 = tpu.memref_slice %arg5[%dma_start3A_58, %dma_start3A_59] : memref<1000000x128xf32, #tpu.memory_space<hbm>> -> memref<1000000x128xf32, #tpu.memory_space<hbm>>
    tpu.enqueue_indirect_dma source(%dma_start3A_60 : memref<1000000x128xf32, #tpu.memory_space<hbm>>) target(%arg14 : memref<128x128xf32, #tpu.memory_space<vmem>>) offsets(%dma_start3A_57 : memref<128xi32, #tpu.memory_space<vmem>>) semaphore(%arg21 : memref<!tpu.dma_semaphore, #tpu.memory_space<semaphore_mem>>)
    %dma_wait3A_61 = arith.constant 0 : i32
    %dma_wait3A_62 = arith.constant 0 : i32
    %dma_wait3A_63 = tpu.memref_slice %arg7[%dma_wait3A_61, %dma_wait3A_62] : memref<4x128xi32, #tpu.memory_space<vmem>> -> memref<1x128xi32, #tpu.memory_space<vmem>>
    %dma_wait3A_64 = tpu.memref_squeeze %dma_wait3A_63 : memref<1x128xi32, #tpu.memory_space<vmem>> -> memref<128xi32, #tpu.memory_space<vmem>>
    %dma_wait3A_65 = arith.constant 0 : i32
    %dma_wait3A_66 = arith.constant 0 : i32
    %dma_wait3A_67 = tpu.memref_slice %arg4[%dma_wait3A_65, %dma_wait3A_66] : memref<1000000x128xf32, #tpu.memory_space<hbm>> -> memref<1000000x128xf32, #tpu.memory_space<hbm>>
    tpu.wait_indirect_dma semaphore(%arg16 : memref<!tpu.dma_semaphore, #tpu.memory_space<semaphore_mem>>) src(%dma_wait3A_67 : memref<1000000x128xf32, #tpu.memory_space<hbm>>) dst(%arg9 : memref<128x128xf32, #tpu.memory_space<vmem>>)
    %dma_wait3A_68 = arith.constant 0 : i32
    %dma_wait3A_69 = arith.constant 0 : i32
    %dma_wait3A_70 = tpu.memref_slice %arg8[%dma_wait3A_68, %dma_wait3A_69] : memref<4x128xi32, #tpu.memory_space<vmem>> -> memref<1x128xi32, #tpu.memory_space<vmem>>
    %dma_wait3A_71 = tpu.memref_squeeze %dma_wait3A_70 : memref<1x128xi32, #tpu.memory_space<vmem>> -> memref<128xi32, #tpu.memory_space<vmem>>
    %dma_wait3A_72 = arith.constant 0 : i32
    %dma_wait3A_73 = arith.constant 0 : i32
    %dma_wait3A_74 = tpu.memref_slice %arg5[%dma_wait3A_72, %dma_wait3A_73] : memref<1000000x128xf32, #tpu.memory_space<hbm>> -> memref<1000000x128xf32, #tpu.memory_space<hbm>>
    tpu.wait_indirect_dma semaphore(%arg19 : memref<!tpu.dma_semaphore, #tpu.memory_space<semaphore_mem>>) src(%dma_wait3A_74 : memref<1000000x128xf32, #tpu.memory_space<hbm>>) dst(%arg12 : memref<128x128xf32, #tpu.memory_space<vmem>>)
    %parallel_loop3A = arith.constant 0 : i32
    %parallel_loop3A_75 = arith.constant 8 : i32
    %parallel_loop3A_76 = arith.constant 1 : i32
    scf.for %parallel_loop3A_144 = %parallel_loop3A to %parallel_loop3A_75 step %parallel_loop3A_76  : i32 {
      %parallel_loop3A_145 = arith.constant 16 : i32
      %parallel_loop3A_146 = arith.muli %parallel_loop3A_144, %parallel_loop3A_145 : i32
      %parallel_loop3A_147 = vector.broadcast %parallel_loop3A_146 : i32 to vector<16xi32>
      %parallel_loop3A_148 = arith.addi %parallel_loop3A_147, %iota3A : vector<16xi32>
      %parallel_loop3A_149 = arith.constant 0.000000e+00 : f32
      %parallel_loop3A_150 = vector.broadcast %parallel_loop3A_149 : f32 to vector<16xf32>
      %parallel_loop3A_151 = arith.constant 0 : i32
      %parallel_loop3A_152 = arith.constant 8 : i32
      %parallel_loop3A_153 = arith.addi %parallel_loop3A_151, %parallel_loop3A_152 : i32
      %parallel_loop3A_154 = arith.constant 1 : i32
      %parallel_loop3A_155:2 = scf.for %scan3A = %parallel_loop3A_151 to %parallel_loop3A_153 step %parallel_loop3A_154 iter_args(%scan3A_164 = %parallel_loop3A_150, %scan3A_165 = %parallel_loop3A_150) -> (vector<16xf32>, vector<16xf32>)  : i32 {
        %parallel_loop3A_166 = arith.constant 16 : i32
        %parallel_loop3A_167 = arith.muli %scan3A, %parallel_loop3A_166 : i32
        %parallel_loop3A_168 = arith.constant 0 : i32
        %parallel_loop3A_169 = arith.addi %parallel_loop3A_167, %parallel_loop3A_168 : i32
        %parallel_loop3A_170 = vector.broadcast %parallel_loop3A_169 : i32 to vector<16xi32>
        %parallel_loop3A_171 = arith.addi %iota3A, %parallel_loop3A_170 : vector<16xi32>
        %parallel_loop3A_172 = arith.constant 127 : i32
        %parallel_loop3A_173 = vector.broadcast %parallel_loop3A_172 : i32 to vector<16xi32>
        %parallel_loop3A_174 = arith.andi %parallel_loop3A_171, %parallel_loop3A_173 : vector<16xi32>
        %parallel_loop3A_175 = tpu.vector_load_idx %arg9[%parallel_loop3A_148, %parallel_loop3A_174] : memref<128x128xf32, #tpu.memory_space<vmem>>[vector<16xi32>, vector<16xi32>], vector<16xf32>,
        %parallel_loop3A_176 = tpu.vector_load_idx %arg12[%parallel_loop3A_148, %parallel_loop3A_174] : memref<128x128xf32, #tpu.memory_space<vmem>>[vector<16xi32>, vector<16xi32>], vector<16xf32>,
        %parallel_loop3A_177 = arith.mulf %parallel_loop3A_175, %parallel_loop3A_176 : vector<16xf32>
        %parallel_loop3A_178 = arith.addf %scan3A_164, %parallel_loop3A_177 : vector<16xf32>
        %parallel_loop3A_179 = arith.constant 16 : i32
        %parallel_loop3A_180 = arith.muli %scan3A, %parallel_loop3A_179 : i32
        %parallel_loop3A_181 = arith.constant 1 : i32
        %parallel_loop3A_182 = arith.addi %parallel_loop3A_180, %parallel_loop3A_181 : i32
        %parallel_loop3A_183 = vector.broadcast %parallel_loop3A_182 : i32 to vector<16xi32>
        %parallel_loop3A_184 = arith.addi %iota3A, %parallel_loop3A_183 : vector<16xi32>
        %parallel_loop3A_185 = arith.constant 127 : i32
        %parallel_loop3A_186 = vector.broadcast %parallel_loop3A_185 : i32 to vector<16xi32>
        %parallel_loop3A_187 = arith.andi %parallel_loop3A_184, %parallel_loop3A_186 : vector<16xi32>
        %parallel_loop3A_188 = tpu.vector_load_idx %arg9[%parallel_loop3A_148, %parallel_loop3A_187] : memref<128x128xf32, #tpu.memory_space<vmem>>[vector<16xi32>, vector<16xi32>], vector<16xf32>,
        %parallel_loop3A_189 = tpu.vector_load_idx %arg12[%parallel_loop3A_148, %parallel_loop3A_187] : memref<128x128xf32, #tpu.memory_space<vmem>>[vector<16xi32>, vector<16xi32>], vector<16xf32>,
        %parallel_loop3A_190 = arith.mulf %parallel_loop3A_188, %parallel_loop3A_189 : vector<16xf32>
        %parallel_loop3A_191 = arith.addf %scan3A_165, %parallel_loop3A_190 : vector<16xf32>
        %parallel_loop3A_192 = arith.constant 16 : i32
        %parallel_loop3A_193 = arith.muli %scan3A, %parallel_loop3A_192 : i32
        %parallel_loop3A_194 = arith.constant 2 : i32
        %parallel_loop3A_195 = arith.addi %parallel_loop3A_193, %parallel_loop3A_194 : i32
        %parallel_loop3A_196 = vector.broadcast %parallel_loop3A_195 : i32 to vector<16xi32>
        %parallel_loop3A_197 = arith.addi %iota3A, %parallel_loop3A_196 : vector<16xi32>
        %parallel_loop3A_198 = arith.constant 127 : i32
        %parallel_loop3A_199 = vector.broadcast %parallel_loop3A_198 : i32 to vector<16xi32>
        %parallel_loop3A_200 = arith.andi %parallel_loop3A_197, %parallel_loop3A_199 : vector<16xi32>
        %parallel_loop3A_201 = tpu.vector_load_idx %arg9[%parallel_loop3A_148, %parallel_loop3A_200] : memref<128x128xf32, #tpu.memory_space<vmem>>[vector<16xi32>, vector<16xi32>], vector<16xf32>,
        %parallel_loop3A_202 = tpu.vector_load_idx %arg12[%parallel_loop3A_148, %parallel_loop3A_200] : memref<128x128xf32, #tpu.memory_space<vmem>>[vector<16xi32>, vector<16xi32>], vector<16xf32>,
        %parallel_loop3A_203 = arith.mulf %parallel_loop3A_201, %parallel_loop3A_202 : vector<16xf32>
        %parallel_loop3A_204 = arith.addf %parallel_loop3A_178, %parallel_loop3A_203 : vector<16xf32>
        %parallel_loop3A_205 = arith.constant 16 : i32
        %parallel_loop3A_206 = arith.muli %scan3A, %parallel_loop3A_205 : i32
        %parallel_loop3A_207 = arith.constant 3 : i32
        %parallel_loop3A_208 = arith.addi %parallel_loop3A_206, %parallel_loop3A_207 : i32
        %parallel_loop3A_209 = vector.broadcast %parallel_loop3A_208 : i32 to vector<16xi32>
        %parallel_loop3A_210 = arith.addi %iota3A, %parallel_loop3A_209 : vector<16xi32>
        %parallel_loop3A_211 = arith.constant 127 : i32
        %parallel_loop3A_212 = vector.broadcast %parallel_loop3A_211 : i32 to vector<16xi32>
        %parallel_loop3A_213 = arith.andi %parallel_loop3A_210, %parallel_loop3A_212 : vector<16xi32>
        %parallel_loop3A_214 = tpu.vector_load_idx %arg9[%parallel_loop3A_148, %parallel_loop3A_213] : memref<128x128xf32, #tpu.memory_space<vmem>>[vector<16xi32>, vector<16xi32>], vector<16xf32>,
        %parallel_loop3A_215 = tpu.vector_load_idx %arg12[%parallel_loop3A_148, %parallel_loop3A_213] : memref<128x128xf32, #tpu.memory_space<vmem>>[vector<16xi32>, vector<16xi32>], vector<16xf32>,
        %parallel_loop3A_216 = arith.mulf %parallel_loop3A_214, %parallel_loop3A_215 : vector<16xf32>
        %parallel_loop3A_217 = arith.addf %parallel_loop3A_191, %parallel_loop3A_216 : vector<16xf32>
        %parallel_loop3A_218 = arith.constant 16 : i32
        %parallel_loop3A_219 = arith.muli %scan3A, %parallel_loop3A_218 : i32
        %parallel_loop3A_220 = arith.constant 4 : i32
        %parallel_loop3A_221 = arith.addi %parallel_loop3A_219, %parallel_loop3A_220 : i32
        %parallel_loop3A_222 = vector.broadcast %parallel_loop3A_221 : i32 to vector<16xi32>
        %parallel_loop3A_223 = arith.addi %iota3A, %parallel_loop3A_222 : vector<16xi32>
        %parallel_loop3A_224 = arith.constant 127 : i32
        %parallel_loop3A_225 = vector.broadcast %parallel_loop3A_224 : i32 to vector<16xi32>
        %parallel_loop3A_226 = arith.andi %parallel_loop3A_223, %parallel_loop3A_225 : vector<16xi32>
        %parallel_loop3A_227 = tpu.vector_load_idx %arg9[%parallel_loop3A_148, %parallel_loop3A_226] : memref<128x128xf32, #tpu.memory_space<vmem>>[vector<16xi32>, vector<16xi32>], vector<16xf32>,
        %parallel_loop3A_228 = tpu.vector_load_idx %arg12[%parallel_loop3A_148, %parallel_loop3A_226] : memref<128x128xf32, #tpu.memory_space<vmem>>[vector<16xi32>, vector<16xi32>], vector<16xf32>,
        %parallel_loop3A_229 = arith.mulf %parallel_loop3A_227, %parallel_loop3A_228 : vector<16xf32>
        %parallel_loop3A_230 = arith.addf %parallel_loop3A_204, %parallel_loop3A_229 : vector<16xf32>
        %parallel_loop3A_231 = arith.constant 16 : i32
        %parallel_loop3A_232 = arith.muli %scan3A, %parallel_loop3A_231 : i32
        %parallel_loop3A_233 = arith.constant 5 : i32
        %parallel_loop3A_234 = arith.addi %parallel_loop3A_232, %parallel_loop3A_233 : i32
        %parallel_loop3A_235 = vector.broadcast %parallel_loop3A_234 : i32 to vector<16xi32>
        %parallel_loop3A_236 = arith.addi %iota3A, %parallel_loop3A_235 : vector<16xi32>
        %parallel_loop3A_237 = arith.constant 127 : i32
        %parallel_loop3A_238 = vector.broadcast %parallel_loop3A_237 : i32 to vector<16xi32>
        %parallel_loop3A_239 = arith.andi %parallel_loop3A_236, %parallel_loop3A_238 : vector<16xi32>
        %parallel_loop3A_240 = tpu.vector_load_idx %arg9[%parallel_loop3A_148, %parallel_loop3A_239] : memref<128x128xf32, #tpu.memory_space<vmem>>[vector<16xi32>, vector<16xi32>], vector<16xf32>,
        %parallel_loop3A_241 = tpu.vector_load_idx %arg12[%parallel_loop3A_148, %parallel_loop3A_239] : memref<128x128xf32, #tpu.memory_space<vmem>>[vector<16xi32>, vector<16xi32>], vector<16xf32>,
        %parallel_loop3A_242 = arith.mulf %parallel_loop3A_240, %parallel_loop3A_241 : vector<16xf32>
        %parallel_loop3A_243 = arith.addf %parallel_loop3A_217, %parallel_loop3A_242 : vector<16xf32>
        %parallel_loop3A_244 = arith.constant 16 : i32
        %parallel_loop3A_245 = arith.muli %scan3A, %parallel_loop3A_244 : i32
        %parallel_loop3A_246 = arith.constant 6 : i32
        %parallel_loop3A_247 = arith.addi %parallel_loop3A_245, %parallel_loop3A_246 : i32
        %parallel_loop3A_248 = vector.broadcast %parallel_loop3A_247 : i32 to vector<16xi32>
        %parallel_loop3A_249 = arith.addi %iota3A, %parallel_loop3A_248 : vector<16xi32>
        %parallel_loop3A_250 = arith.constant 127 : i32
        %parallel_loop3A_251 = vector.broadcast %parallel_loop3A_250 : i32 to vector<16xi32>
        %parallel_loop3A_252 = arith.andi %parallel_loop3A_249, %parallel_loop3A_251 : vector<16xi32>
        %parallel_loop3A_253 = tpu.vector_load_idx %arg9[%parallel_loop3A_148, %parallel_loop3A_252] : memref<128x128xf32, #tpu.memory_space<vmem>>[vector<16xi32>, vector<16xi32>], vector<16xf32>,
        %parallel_loop3A_254 = tpu.vector_load_idx %arg12[%parallel_loop3A_148, %parallel_loop3A_252] : memref<128x128xf32, #tpu.memory_space<vmem>>[vector<16xi32>, vector<16xi32>], vector<16xf32>,
        %parallel_loop3A_255 = arith.mulf %parallel_loop3A_253, %parallel_loop3A_254 : vector<16xf32>
        %parallel_loop3A_256 = arith.addf %parallel_loop3A_230, %parallel_loop3A_255 : vector<16xf32>
        %parallel_loop3A_257 = arith.constant 16 : i32
        %parallel_loop3A_258 = arith.muli %scan3A, %parallel_loop3A_257 : i32
        %parallel_loop3A_259 = arith.constant 7 : i32
        %parallel_loop3A_260 = arith.addi %parallel_loop3A_258, %parallel_loop3A_259 : i32
        %parallel_loop3A_261 = vector.broadcast %parallel_loop3A_260 : i32 to vector<16xi32>
        %parallel_loop3A_262 = arith.addi %iota3A, %parallel_loop3A_261 : vector<16xi32>
        %parallel_loop3A_263 = arith.constant 127 : i32
        %parallel_loop3A_264 = vector.broadcast %parallel_loop3A_263 : i32 to vector<16xi32>
        %parallel_loop3A_265 = arith.andi %parallel_loop3A_262, %parallel_loop3A_264 : vector<16xi32>
        %parallel_loop3A_266 = tpu.vector_load_idx %arg9[%parallel_loop3A_148, %parallel_loop3A_265] : memref<128x128xf32, #tpu.memory_space<vmem>>[vector<16xi32>, vector<16xi32>], vector<16xf32>,
        %parallel_loop3A_267 = tpu.vector_load_idx %arg12[%parallel_loop3A_148, %parallel_loop3A_265] : memref<128x128xf32, #tpu.memory_space<vmem>>[vector<16xi32>, vector<16xi32>], vector<16xf32>,
        %parallel_loop3A_268 = arith.mulf %parallel_loop3A_266, %parallel_loop3A_267 : vector<16xf32>
        %parallel_loop3A_269 = arith.addf %parallel_loop3A_243, %parallel_loop3A_268 : vector<16xf32>
        %parallel_loop3A_270 = arith.constant 16 : i32
        %parallel_loop3A_271 = arith.muli %scan3A, %parallel_loop3A_270 : i32
        %parallel_loop3A_272 = arith.constant 8 : i32
        %parallel_loop3A_273 = arith.addi %parallel_loop3A_271, %parallel_loop3A_272 : i32
        %parallel_loop3A_274 = vector.broadcast %parallel_loop3A_273 : i32 to vector<16xi32>
        %parallel_loop3A_275 = arith.addi %iota3A, %parallel_loop3A_274 : vector<16xi32>
        %parallel_loop3A_276 = arith.constant 127 : i32
        %parallel_loop3A_277 = vector.broadcast %parallel_loop3A_276 : i32 to vector<16xi32>
        %parallel_loop3A_278 = arith.andi %parallel_loop3A_275, %parallel_loop3A_277 : vector<16xi32>
        %parallel_loop3A_279 = tpu.vector_load_idx %arg9[%parallel_loop3A_148, %parallel_loop3A_278] : memref<128x128xf32, #tpu.memory_space<vmem>>[vector<16xi32>, vector<16xi32>], vector<16xf32>,
        %parallel_loop3A_280 = tpu.vector_load_idx %arg12[%parallel_loop3A_148, %parallel_loop3A_278] : memref<128x128xf32, #tpu.memory_space<vmem>>[vector<16xi32>, vector<16xi32>], vector<16xf32>,
        %parallel_loop3A_281 = arith.mulf %parallel_loop3A_279, %parallel_loop3A_280 : vector<16xf32>
        %parallel_loop3A_282 = arith.addf %parallel_loop3A_256, %parallel_loop3A_281 : vector<16xf32>
        %parallel_loop3A_283 = arith.constant 16 : i32
        %parallel_loop3A_284 = arith.muli %scan3A, %parallel_loop3A_283 : i32
        %parallel_loop3A_285 = arith.constant 9 : i32
        %parallel_loop3A_286 = arith.addi %parallel_loop3A_284, %parallel_loop3A_285 : i32
        %parallel_loop3A_287 = vector.broadcast %parallel_loop3A_286 : i32 to vector<16xi32>
        %parallel_loop3A_288 = arith.addi %iota3A, %parallel_loop3A_287 : vector<16xi32>
        %parallel_loop3A_289 = arith.constant 127 : i32
        %parallel_loop3A_290 = vector.broadcast %parallel_loop3A_289 : i32 to vector<16xi32>
        %parallel_loop3A_291 = arith.andi %parallel_loop3A_288, %parallel_loop3A_290 : vector<16xi32>
        %parallel_loop3A_292 = tpu.vector_load_idx %arg9[%parallel_loop3A_148, %parallel_loop3A_291] : memref<128x128xf32, #tpu.memory_space<vmem>>[vector<16xi32>, vector<16xi32>], vector<16xf32>,
        %parallel_loop3A_293 = tpu.vector_load_idx %arg12[%parallel_loop3A_148, %parallel_loop3A_291] : memref<128x128xf32, #tpu.memory_space<vmem>>[vector<16xi32>, vector<16xi32>], vector<16xf32>,
        %parallel_loop3A_294 = arith.mulf %parallel_loop3A_292, %parallel_loop3A_293 : vector<16xf32>
        %parallel_loop3A_295 = arith.addf %parallel_loop3A_269, %parallel_loop3A_294 : vector<16xf32>
        %parallel_loop3A_296 = arith.constant 16 : i32
        %parallel_loop3A_297 = arith.muli %scan3A, %parallel_loop3A_296 : i32
        %parallel_loop3A_298 = arith.constant 10 : i32
        %parallel_loop3A_299 = arith.addi %parallel_loop3A_297, %parallel_loop3A_298 : i32
        %parallel_loop3A_300 = vector.broadcast %parallel_loop3A_299 : i32 to vector<16xi32>
        %parallel_loop3A_301 = arith.addi %iota3A, %parallel_loop3A_300 : vector<16xi32>
        %parallel_loop3A_302 = arith.constant 127 : i32
        %parallel_loop3A_303 = vector.broadcast %parallel_loop3A_302 : i32 to vector<16xi32>
        %parallel_loop3A_304 = arith.andi %parallel_loop3A_301, %parallel_loop3A_303 : vector<16xi32>
        %parallel_loop3A_305 = tpu.vector_load_idx %arg9[%parallel_loop3A_148, %parallel_loop3A_304] : memref<128x128xf32, #tpu.memory_space<vmem>>[vector<16xi32>, vector<16xi32>], vector<16xf32>,
        %parallel_loop3A_306 = tpu.vector_load_idx %arg12[%parallel_loop3A_148, %parallel_loop3A_304] : memref<128x128xf32, #tpu.memory_space<vmem>>[vector<16xi32>, vector<16xi32>], vector<16xf32>,
        %parallel_loop3A_307 = arith.mulf %parallel_loop3A_305, %parallel_loop3A_306 : vector<16xf32>
        %parallel_loop3A_308 = arith.addf %parallel_loop3A_282, %parallel_loop3A_307 : vector<16xf32>
        %parallel_loop3A_309 = arith.constant 16 : i32
        %parallel_loop3A_310 = arith.muli %scan3A, %parallel_loop3A_309 : i32
        %parallel_loop3A_311 = arith.constant 11 : i32
        %parallel_loop3A_312 = arith.addi %parallel_loop3A_310, %parallel_loop3A_311 : i32
        %parallel_loop3A_313 = vector.broadcast %parallel_loop3A_312 : i32 to vector<16xi32>
        %parallel_loop3A_314 = arith.addi %iota3A, %parallel_loop3A_313 : vector<16xi32>
        %parallel_loop3A_315 = arith.constant 127 : i32
        %parallel_loop3A_316 = vector.broadcast %parallel_loop3A_315 : i32 to vector<16xi32>
        %parallel_loop3A_317 = arith.andi %parallel_loop3A_314, %parallel_loop3A_316 : vector<16xi32>
        %parallel_loop3A_318 = tpu.vector_load_idx %arg9[%parallel_loop3A_148, %parallel_loop3A_317] : memref<128x128xf32, #tpu.memory_space<vmem>>[vector<16xi32>, vector<16xi32>], vector<16xf32>,
        %parallel_loop3A_319 = tpu.vector_load_idx %arg12[%parallel_loop3A_148, %parallel_loop3A_317] : memref<128x128xf32, #tpu.memory_space<vmem>>[vector<16xi32>, vector<16xi32>], vector<16xf32>,
        %parallel_loop3A_320 = arith.mulf %parallel_loop3A_318, %parallel_loop3A_319 : vector<16xf32>
        %parallel_loop3A_321 = arith.addf %parallel_loop3A_295, %parallel_loop3A_320 : vector<16xf32>
        %parallel_loop3A_322 = arith.constant 16 : i32
        %parallel_loop3A_323 = arith.muli %scan3A, %parallel_loop3A_322 : i32
        %parallel_loop3A_324 = arith.constant 12 : i32
        %parallel_loop3A_325 = arith.addi %parallel_loop3A_323, %parallel_loop3A_324 : i32
        %parallel_loop3A_326 = vector.broadcast %parallel_loop3A_325 : i32 to vector<16xi32>
        %parallel_loop3A_327 = arith.addi %iota3A, %parallel_loop3A_326 : vector<16xi32>
        %parallel_loop3A_328 = arith.constant 127 : i32
        %parallel_loop3A_329 = vector.broadcast %parallel_loop3A_328 : i32 to vector<16xi32>
        %parallel_loop3A_330 = arith.andi %parallel_loop3A_327, %parallel_loop3A_329 : vector<16xi32>
        %parallel_loop3A_331 = tpu.vector_load_idx %arg9[%parallel_loop3A_148, %parallel_loop3A_330] : memref<128x128xf32, #tpu.memory_space<vmem>>[vector<16xi32>, vector<16xi32>], vector<16xf32>,
        %parallel_loop3A_332 = tpu.vector_load_idx %arg12[%parallel_loop3A_148, %parallel_loop3A_330] : memref<128x128xf32, #tpu.memory_space<vmem>>[vector<16xi32>, vector<16xi32>], vector<16xf32>,
        %parallel_loop3A_333 = arith.mulf %parallel_loop3A_331, %parallel_loop3A_332 : vector<16xf32>
        %parallel_loop3A_334 = arith.addf %parallel_loop3A_308, %parallel_loop3A_333 : vector<16xf32>
        %parallel_loop3A_335 = arith.constant 16 : i32
        %parallel_loop3A_336 = arith.muli %scan3A, %parallel_loop3A_335 : i32
        %parallel_loop3A_337 = arith.constant 13 : i32
        %parallel_loop3A_338 = arith.addi %parallel_loop3A_336, %parallel_loop3A_337 : i32
        %parallel_loop3A_339 = vector.broadcast %parallel_loop3A_338 : i32 to vector<16xi32>
        %parallel_loop3A_340 = arith.addi %iota3A, %parallel_loop3A_339 : vector<16xi32>
        %parallel_loop3A_341 = arith.constant 127 : i32
        %parallel_loop3A_342 = vector.broadcast %parallel_loop3A_341 : i32 to vector<16xi32>
        %parallel_loop3A_343 = arith.andi %parallel_loop3A_340, %parallel_loop3A_342 : vector<16xi32>
        %parallel_loop3A_344 = tpu.vector_load_idx %arg9[%parallel_loop3A_148, %parallel_loop3A_343] : memref<128x128xf32, #tpu.memory_space<vmem>>[vector<16xi32>, vector<16xi32>], vector<16xf32>,
        %parallel_loop3A_345 = tpu.vector_load_idx %arg12[%parallel_loop3A_148, %parallel_loop3A_343] : memref<128x128xf32, #tpu.memory_space<vmem>>[vector<16xi32>, vector<16xi32>], vector<16xf32>,
        %parallel_loop3A_346 = arith.mulf %parallel_loop3A_344, %parallel_loop3A_345 : vector<16xf32>
        %parallel_loop3A_347 = arith.addf %parallel_loop3A_321, %parallel_loop3A_346 : vector<16xf32>
        %parallel_loop3A_348 = arith.constant 16 : i32
        %parallel_loop3A_349 = arith.muli %scan3A, %parallel_loop3A_348 : i32
        %parallel_loop3A_350 = arith.constant 14 : i32
        %parallel_loop3A_351 = arith.addi %parallel_loop3A_349, %parallel_loop3A_350 : i32
        %parallel_loop3A_352 = vector.broadcast %parallel_loop3A_351 : i32 to vector<16xi32>
        %parallel_loop3A_353 = arith.addi %iota3A, %parallel_loop3A_352 : vector<16xi32>
        %parallel_loop3A_354 = arith.constant 127 : i32
        %parallel_loop3A_355 = vector.broadcast %parallel_loop3A_354 : i32 to vector<16xi32>
        %parallel_loop3A_356 = arith.andi %parallel_loop3A_353, %parallel_loop3A_355 : vector<16xi32>
        %parallel_loop3A_357 = tpu.vector_load_idx %arg9[%parallel_loop3A_148, %parallel_loop3A_356] : memref<128x128xf32, #tpu.memory_space<vmem>>[vector<16xi32>, vector<16xi32>], vector<16xf32>,
        %parallel_loop3A_358 = tpu.vector_load_idx %arg12[%parallel_loop3A_148, %parallel_loop3A_356] : memref<128x128xf32, #tpu.memory_space<vmem>>[vector<16xi32>, vector<16xi32>], vector<16xf32>,
        %parallel_loop3A_359 = arith.mulf %parallel_loop3A_357, %parallel_loop3A_358 : vector<16xf32>
        %parallel_loop3A_360 = arith.addf %parallel_loop3A_334, %parallel_loop3A_359 : vector<16xf32>
        %parallel_loop3A_361 = arith.constant 16 : i32
        %parallel_loop3A_362 = arith.muli %scan3A, %parallel_loop3A_361 : i32
        %parallel_loop3A_363 = arith.constant 15 : i32
        %parallel_loop3A_364 = arith.addi %parallel_loop3A_362, %parallel_loop3A_363 : i32
        %parallel_loop3A_365 = vector.broadcast %parallel_loop3A_364 : i32 to vector<16xi32>
        %parallel_loop3A_366 = arith.addi %iota3A, %parallel_loop3A_365 : vector<16xi32>
        %parallel_loop3A_367 = arith.constant 127 : i32
        %parallel_loop3A_368 = vector.broadcast %parallel_loop3A_367 : i32 to vector<16xi32>
        %parallel_loop3A_369 = arith.andi %parallel_loop3A_366, %parallel_loop3A_368 : vector<16xi32>
        %parallel_loop3A_370 = tpu.vector_load_idx %arg9[%parallel_loop3A_148, %parallel_loop3A_369] : memref<128x128xf32, #tpu.memory_space<vmem>>[vector<16xi32>, vector<16xi32>], vector<16xf32>,
        %parallel_loop3A_371 = tpu.vector_load_idx %arg12[%parallel_loop3A_148, %parallel_loop3A_369] : memref<128x128xf32, #tpu.memory_space<vmem>>[vector<16xi32>, vector<16xi32>], vector<16xf32>,
        %parallel_loop3A_372 = arith.mulf %parallel_loop3A_370, %parallel_loop3A_371 : vector<16xf32>
        %parallel_loop3A_373 = arith.addf %parallel_loop3A_347, %parallel_loop3A_372 : vector<16xf32>
        scf.yield %parallel_loop3A_360, %parallel_loop3A_373 : vector<16xf32>, vector<16xf32>
      }
      %parallel_loop3A_156 = arith.constant 8 : i32
      %parallel_loop3A_157 = arith.addf %parallel_loop3A_155#0, %parallel_loop3A_155#1 : vector<16xf32>
      %parallel_loop3A_158 = arith.constant 16 : i32
      %parallel_loop3A_159 = arith.muli %parallel_loop3A_144, %parallel_loop3A_158 : i32
      %parallel_loop3A_160 = arith.constant 0 : i32
      %parallel_loop3A_161 = arith.addi %parallel_loop3A_160, %parallel_loop3A_159 : i32
      %parallel_loop3A_162 = arith.index_cast %parallel_loop3A_161 : i32 to index
      %parallel_loop3A_163 = tpu.vector_load %arg15[%parallel_loop3A_162] {strides = array<i32>} : memref<512xf32, #tpu.memory_space<vmem>>, vector<16xf32>,
      tpu.vector_store %arg15[%parallel_loop3A_162], %parallel_loop3A_157 {strides = array<i32>} : memref<512xf32, #tpu.memory_space<vmem>>, vector<16xf32>,
    } {sc.loop_unroll_factor = 1 : i64, sc.parallel_access}
    %dma_start3A_77 = arith.constant 3 : i32
    %dma_start3A_78 = arith.constant 0 : i32
    %dma_start3A_79 = tpu.memref_slice %arg7[%dma_start3A_77, %dma_start3A_78] : memref<4x128xi32, #tpu.memory_space<vmem>> -> memref<1x128xi32, #tpu.memory_space<vmem>>
    %dma_start3A_80 = tpu.memref_squeeze %dma_start3A_79 : memref<1x128xi32, #tpu.memory_space<vmem>> -> memref<128xi32, #tpu.memory_space<vmem>>
    %dma_start3A_81 = arith.constant 0 : i32
    %dma_start3A_82 = arith.constant 0 : i32
    %dma_start3A_83 = tpu.memref_slice %arg4[%dma_start3A_81, %dma_start3A_82] : memref<1000000x128xf32, #tpu.memory_space<hbm>> -> memref<1000000x128xf32, #tpu.memory_space<hbm>>
    tpu.enqueue_indirect_dma source(%dma_start3A_83 : memref<1000000x128xf32, #tpu.memory_space<hbm>>) target(%arg9 : memref<128x128xf32, #tpu.memory_space<vmem>>) offsets(%dma_start3A_80 : memref<128xi32, #tpu.memory_space<vmem>>) semaphore(%arg16 : memref<!tpu.dma_semaphore, #tpu.memory_space<semaphore_mem>>)
    %dma_start3A_84 = arith.constant 3 : i32
    %dma_start3A_85 = arith.constant 0 : i32
    %dma_start3A_86 = tpu.memref_slice %arg8[%dma_start3A_84, %dma_start3A_85] : memref<4x128xi32, #tpu.memory_space<vmem>> -> memref<1x128xi32, #tpu.memory_space<vmem>>
    %dma_start3A_87 = tpu.memref_squeeze %dma_start3A_86 : memref<1x128xi32, #tpu.memory_space<vmem>> -> memref<128xi32, #tpu.memory_space<vmem>>
    %dma_start3A_88 = arith.constant 0 : i32
    %dma_start3A_89 = arith.constant 0 : i32
    %dma_start3A_90 = tpu.memref_slice %arg5[%dma_start3A_88, %dma_start3A_89] : memref<1000000x128xf32, #tpu.memory_space<hbm>> -> memref<1000000x128xf32, #tpu.memory_space<hbm>>
    tpu.enqueue_indirect_dma source(%dma_start3A_90 : memref<1000000x128xf32, #tpu.memory_space<hbm>>) target(%arg12 : memref<128x128xf32, #tpu.memory_space<vmem>>) offsets(%dma_start3A_87 : memref<128xi32, #tpu.memory_space<vmem>>) semaphore(%arg19 : memref<!tpu.dma_semaphore, #tpu.memory_space<semaphore_mem>>)
    %dma_wait3A_91 = arith.constant 1 : i32
    %dma_wait3A_92 = arith.constant 0 : i32
    %dma_wait3A_93 = tpu.memref_slice %arg7[%dma_wait3A_91, %dma_wait3A_92] : memref<4x128xi32, #tpu.memory_space<vmem>> -> memref<1x128xi32, #tpu.memory_space<vmem>>
    %dma_wait3A_94 = tpu.memref_squeeze %dma_wait3A_93 : memref<1x128xi32, #tpu.memory_space<vmem>> -> memref<128xi32, #tpu.memory_space<vmem>>
    %dma_wait3A_95 = arith.constant 0 : i32
    %dma_wait3A_96 = arith.constant 0 : i32
    %dma_wait3A_97 = tpu.memref_slice %arg4[%dma_wait3A_95, %dma_wait3A_96] : memref<1000000x128xf32, #tpu.memory_space<hbm>> -> memref<1000000x128xf32, #tpu.memory_space<hbm>>
    tpu.wait_indirect_dma semaphore(%arg17 : memref<!tpu.dma_semaphore, #tpu.memory_space<semaphore_mem>>) src(%dma_wait3A_97 : memref<1000000x128xf32, #tpu.memory_space<hbm>>) dst(%arg10 : memref<128x128xf32, #tpu.memory_space<vmem>>)
    %dma_wait3A_98 = arith.constant 1 : i32
    %dma_wait3A_99 = arith.constant 0 : i32
    %dma_wait3A_100 = tpu.memref_slice %arg8[%dma_wait3A_98, %dma_wait3A_99] : memref<4x128xi32, #tpu.memory_space<vmem>> -> memref<1x128xi32, #tpu.memory_space<vmem>>
    %dma_wait3A_101 = tpu.memref_squeeze %dma_wait3A_100 : memref<1x128xi32, #tpu.memory_space<vmem>> -> memref<128xi32, #tpu.memory_space<vmem>>
    %dma_wait3A_102 = arith.constant 0 : i32
    %dma_wait3A_103 = arith.constant 0 : i32
    %dma_wait3A_104 = tpu.memref_slice %arg5[%dma_wait3A_102, %dma_wait3A_103] : memref<1000000x128xf32, #tpu.memory_space<hbm>> -> memref<1000000x128xf32, #tpu.memory_space<hbm>>
    tpu.wait_indirect_dma semaphore(%arg20 : memref<!tpu.dma_semaphore, #tpu.memory_space<semaphore_mem>>) src(%dma_wait3A_104 : memref<1000000x128xf32, #tpu.memory_space<hbm>>) dst(%arg13 : memref<128x128xf32, #tpu.memory_space<vmem>>)
    %parallel_loop3A_105 = arith.constant 0 : i32
    %parallel_loop3A_106 = arith.constant 8 : i32
    %parallel_loop3A_107 = arith.constant 1 : i32
    scf.for %parallel_loop3A_144 = %parallel_loop3A_105 to %parallel_loop3A_106 step %parallel_loop3A_107  : i32 {
      %parallel_loop3A_145 = arith.constant 16 : i32
      %parallel_loop3A_146 = arith.muli %parallel_loop3A_144, %parallel_loop3A_145 : i32
      %parallel_loop3A_147 = vector.broadcast %parallel_loop3A_146 : i32 to vector<16xi32>
      %parallel_loop3A_148 = arith.addi %parallel_loop3A_147, %iota3A : vector<16xi32>
      %parallel_loop3A_149 = arith.constant 0.000000e+00 : f32
      %parallel_loop3A_150 = vector.broadcast %parallel_loop3A_149 : f32 to vector<16xf32>
      %parallel_loop3A_151 = arith.constant 0 : i32
      %parallel_loop3A_152 = arith.constant 8 : i32
      %parallel_loop3A_153 = arith.addi %parallel_loop3A_151, %parallel_loop3A_152 : i32
      %parallel_loop3A_154 = arith.constant 1 : i32
      %parallel_loop3A_155:2 = scf.for %scan3A = %parallel_loop3A_151 to %parallel_loop3A_153 step %parallel_loop3A_154 iter_args(%scan3A_164 = %parallel_loop3A_150, %scan3A_165 = %parallel_loop3A_150) -> (vector<16xf32>, vector<16xf32>)  : i32 {
        %parallel_loop3A_166 = arith.constant 16 : i32
        %parallel_loop3A_167 = arith.muli %scan3A, %parallel_loop3A_166 : i32
        %parallel_loop3A_168 = arith.constant 0 : i32
        %parallel_loop3A_169 = arith.addi %parallel_loop3A_167, %parallel_loop3A_168 : i32
        %parallel_loop3A_170 = vector.broadcast %parallel_loop3A_169 : i32 to vector<16xi32>
        %parallel_loop3A_171 = arith.addi %iota3A, %parallel_loop3A_170 : vector<16xi32>
        %parallel_loop3A_172 = arith.constant 127 : i32
        %parallel_loop3A_173 = vector.broadcast %parallel_loop3A_172 : i32 to vector<16xi32>
        %parallel_loop3A_174 = arith.andi %parallel_loop3A_171, %parallel_loop3A_173 : vector<16xi32>
        %parallel_loop3A_175 = tpu.vector_load_idx %arg10[%parallel_loop3A_148, %parallel_loop3A_174] : memref<128x128xf32, #tpu.memory_space<vmem>>[vector<16xi32>, vector<16xi32>], vector<16xf32>,
        %parallel_loop3A_176 = tpu.vector_load_idx %arg13[%parallel_loop3A_148, %parallel_loop3A_174] : memref<128x128xf32, #tpu.memory_space<vmem>>[vector<16xi32>, vector<16xi32>], vector<16xf32>,
        %parallel_loop3A_177 = arith.mulf %parallel_loop3A_175, %parallel_loop3A_176 : vector<16xf32>
        %parallel_loop3A_178 = arith.addf %scan3A_164, %parallel_loop3A_177 : vector<16xf32>
        %parallel_loop3A_179 = arith.constant 16 : i32
        %parallel_loop3A_180 = arith.muli %scan3A, %parallel_loop3A_179 : i32
        %parallel_loop3A_181 = arith.constant 1 : i32
        %parallel_loop3A_182 = arith.addi %parallel_loop3A_180, %parallel_loop3A_181 : i32
        %parallel_loop3A_183 = vector.broadcast %parallel_loop3A_182 : i32 to vector<16xi32>
        %parallel_loop3A_184 = arith.addi %iota3A, %parallel_loop3A_183 : vector<16xi32>
        %parallel_loop3A_185 = arith.constant 127 : i32
        %parallel_loop3A_186 = vector.broadcast %parallel_loop3A_185 : i32 to vector<16xi32>
        %parallel_loop3A_187 = arith.andi %parallel_loop3A_184, %parallel_loop3A_186 : vector<16xi32>
        %parallel_loop3A_188 = tpu.vector_load_idx %arg10[%parallel_loop3A_148, %parallel_loop3A_187] : memref<128x128xf32, #tpu.memory_space<vmem>>[vector<16xi32>, vector<16xi32>], vector<16xf32>,
        %parallel_loop3A_189 = tpu.vector_load_idx %arg13[%parallel_loop3A_148, %parallel_loop3A_187] : memref<128x128xf32, #tpu.memory_space<vmem>>[vector<16xi32>, vector<16xi32>], vector<16xf32>,
        %parallel_loop3A_190 = arith.mulf %parallel_loop3A_188, %parallel_loop3A_189 : vector<16xf32>
        %parallel_loop3A_191 = arith.addf %scan3A_165, %parallel_loop3A_190 : vector<16xf32>
        %parallel_loop3A_192 = arith.constant 16 : i32
        %parallel_loop3A_193 = arith.muli %scan3A, %parallel_loop3A_192 : i32
        %parallel_loop3A_194 = arith.constant 2 : i32
        %parallel_loop3A_195 = arith.addi %parallel_loop3A_193, %parallel_loop3A_194 : i32
        %parallel_loop3A_196 = vector.broadcast %parallel_loop3A_195 : i32 to vector<16xi32>
        %parallel_loop3A_197 = arith.addi %iota3A, %parallel_loop3A_196 : vector<16xi32>
        %parallel_loop3A_198 = arith.constant 127 : i32
        %parallel_loop3A_199 = vector.broadcast %parallel_loop3A_198 : i32 to vector<16xi32>
        %parallel_loop3A_200 = arith.andi %parallel_loop3A_197, %parallel_loop3A_199 : vector<16xi32>
        %parallel_loop3A_201 = tpu.vector_load_idx %arg10[%parallel_loop3A_148, %parallel_loop3A_200] : memref<128x128xf32, #tpu.memory_space<vmem>>[vector<16xi32>, vector<16xi32>], vector<16xf32>,
        %parallel_loop3A_202 = tpu.vector_load_idx %arg13[%parallel_loop3A_148, %parallel_loop3A_200] : memref<128x128xf32, #tpu.memory_space<vmem>>[vector<16xi32>, vector<16xi32>], vector<16xf32>,
        %parallel_loop3A_203 = arith.mulf %parallel_loop3A_201, %parallel_loop3A_202 : vector<16xf32>
        %parallel_loop3A_204 = arith.addf %parallel_loop3A_178, %parallel_loop3A_203 : vector<16xf32>
        %parallel_loop3A_205 = arith.constant 16 : i32
        %parallel_loop3A_206 = arith.muli %scan3A, %parallel_loop3A_205 : i32
        %parallel_loop3A_207 = arith.constant 3 : i32
        %parallel_loop3A_208 = arith.addi %parallel_loop3A_206, %parallel_loop3A_207 : i32
        %parallel_loop3A_209 = vector.broadcast %parallel_loop3A_208 : i32 to vector<16xi32>
        %parallel_loop3A_210 = arith.addi %iota3A, %parallel_loop3A_209 : vector<16xi32>
        %parallel_loop3A_211 = arith.constant 127 : i32
        %parallel_loop3A_212 = vector.broadcast %parallel_loop3A_211 : i32 to vector<16xi32>
        %parallel_loop3A_213 = arith.andi %parallel_loop3A_210, %parallel_loop3A_212 : vector<16xi32>
        %parallel_loop3A_214 = tpu.vector_load_idx %arg10[%parallel_loop3A_148, %parallel_loop3A_213] : memref<128x128xf32, #tpu.memory_space<vmem>>[vector<16xi32>, vector<16xi32>], vector<16xf32>,
        %parallel_loop3A_215 = tpu.vector_load_idx %arg13[%parallel_loop3A_148, %parallel_loop3A_213] : memref<128x128xf32, #tpu.memory_space<vmem>>[vector<16xi32>, vector<16xi32>], vector<16xf32>,
        %parallel_loop3A_216 = arith.mulf %parallel_loop3A_214, %parallel_loop3A_215 : vector<16xf32>
        %parallel_loop3A_217 = arith.addf %parallel_loop3A_191, %parallel_loop3A_216 : vector<16xf32>
        %parallel_loop3A_218 = arith.constant 16 : i32
        %parallel_loop3A_219 = arith.muli %scan3A, %parallel_loop3A_218 : i32
        %parallel_loop3A_220 = arith.constant 4 : i32
        %parallel_loop3A_221 = arith.addi %parallel_loop3A_219, %parallel_loop3A_220 : i32
        %parallel_loop3A_222 = vector.broadcast %parallel_loop3A_221 : i32 to vector<16xi32>
        %parallel_loop3A_223 = arith.addi %iota3A, %parallel_loop3A_222 : vector<16xi32>
        %parallel_loop3A_224 = arith.constant 127 : i32
        %parallel_loop3A_225 = vector.broadcast %parallel_loop3A_224 : i32 to vector<16xi32>
        %parallel_loop3A_226 = arith.andi %parallel_loop3A_223, %parallel_loop3A_225 : vector<16xi32>
        %parallel_loop3A_227 = tpu.vector_load_idx %arg10[%parallel_loop3A_148, %parallel_loop3A_226] : memref<128x128xf32, #tpu.memory_space<vmem>>[vector<16xi32>, vector<16xi32>], vector<16xf32>,
        %parallel_loop3A_228 = tpu.vector_load_idx %arg13[%parallel_loop3A_148, %parallel_loop3A_226] : memref<128x128xf32, #tpu.memory_space<vmem>>[vector<16xi32>, vector<16xi32>], vector<16xf32>,
        %parallel_loop3A_229 = arith.mulf %parallel_loop3A_227, %parallel_loop3A_228 : vector<16xf32>
        %parallel_loop3A_230 = arith.addf %parallel_loop3A_204, %parallel_loop3A_229 : vector<16xf32>
        %parallel_loop3A_231 = arith.constant 16 : i32
        %parallel_loop3A_232 = arith.muli %scan3A, %parallel_loop3A_231 : i32
        %parallel_loop3A_233 = arith.constant 5 : i32
        %parallel_loop3A_234 = arith.addi %parallel_loop3A_232, %parallel_loop3A_233 : i32
        %parallel_loop3A_235 = vector.broadcast %parallel_loop3A_234 : i32 to vector<16xi32>
        %parallel_loop3A_236 = arith.addi %iota3A, %parallel_loop3A_235 : vector<16xi32>
        %parallel_loop3A_237 = arith.constant 127 : i32
        %parallel_loop3A_238 = vector.broadcast %parallel_loop3A_237 : i32 to vector<16xi32>
        %parallel_loop3A_239 = arith.andi %parallel_loop3A_236, %parallel_loop3A_238 : vector<16xi32>
        %parallel_loop3A_240 = tpu.vector_load_idx %arg10[%parallel_loop3A_148, %parallel_loop3A_239] : memref<128x128xf32, #tpu.memory_space<vmem>>[vector<16xi32>, vector<16xi32>], vector<16xf32>,
        %parallel_loop3A_241 = tpu.vector_load_idx %arg13[%parallel_loop3A_148, %parallel_loop3A_239] : memref<128x128xf32, #tpu.memory_space<vmem>>[vector<16xi32>, vector<16xi32>], vector<16xf32>,
        %parallel_loop3A_242 = arith.mulf %parallel_loop3A_240, %parallel_loop3A_241 : vector<16xf32>
        %parallel_loop3A_243 = arith.addf %parallel_loop3A_217, %parallel_loop3A_242 : vector<16xf32>
        %parallel_loop3A_244 = arith.constant 16 : i32
        %parallel_loop3A_245 = arith.muli %scan3A, %parallel_loop3A_244 : i32
        %parallel_loop3A_246 = arith.constant 6 : i32
        %parallel_loop3A_247 = arith.addi %parallel_loop3A_245, %parallel_loop3A_246 : i32
        %parallel_loop3A_248 = vector.broadcast %parallel_loop3A_247 : i32 to vector<16xi32>
        %parallel_loop3A_249 = arith.addi %iota3A, %parallel_loop3A_248 : vector<16xi32>
        %parallel_loop3A_250 = arith.constant 127 : i32
        %parallel_loop3A_251 = vector.broadcast %parallel_loop3A_250 : i32 to vector<16xi32>
        %parallel_loop3A_252 = arith.andi %parallel_loop3A_249, %parallel_loop3A_251 : vector<16xi32>
        %parallel_loop3A_253 = tpu.vector_load_idx %arg10[%parallel_loop3A_148, %parallel_loop3A_252] : memref<128x128xf32, #tpu.memory_space<vmem>>[vector<16xi32>, vector<16xi32>], vector<16xf32>,
        %parallel_loop3A_254 = tpu.vector_load_idx %arg13[%parallel_loop3A_148, %parallel_loop3A_252] : memref<128x128xf32, #tpu.memory_space<vmem>>[vector<16xi32>, vector<16xi32>], vector<16xf32>,
        %parallel_loop3A_255 = arith.mulf %parallel_loop3A_253, %parallel_loop3A_254 : vector<16xf32>
        %parallel_loop3A_256 = arith.addf %parallel_loop3A_230, %parallel_loop3A_255 : vector<16xf32>
        %parallel_loop3A_257 = arith.constant 16 : i32
        %parallel_loop3A_258 = arith.muli %scan3A, %parallel_loop3A_257 : i32
        %parallel_loop3A_259 = arith.constant 7 : i32
        %parallel_loop3A_260 = arith.addi %parallel_loop3A_258, %parallel_loop3A_259 : i32
        %parallel_loop3A_261 = vector.broadcast %parallel_loop3A_260 : i32 to vector<16xi32>
        %parallel_loop3A_262 = arith.addi %iota3A, %parallel_loop3A_261 : vector<16xi32>
        %parallel_loop3A_263 = arith.constant 127 : i32
        %parallel_loop3A_264 = vector.broadcast %parallel_loop3A_263 : i32 to vector<16xi32>
        %parallel_loop3A_265 = arith.andi %parallel_loop3A_262, %parallel_loop3A_264 : vector<16xi32>
        %parallel_loop3A_266 = tpu.vector_load_idx %arg10[%parallel_loop3A_148, %parallel_loop3A_265] : memref<128x128xf32, #tpu.memory_space<vmem>>[vector<16xi32>, vector<16xi32>], vector<16xf32>,
        %parallel_loop3A_267 = tpu.vector_load_idx %arg13[%parallel_loop3A_148, %parallel_loop3A_265] : memref<128x128xf32, #tpu.memory_space<vmem>>[vector<16xi32>, vector<16xi32>], vector<16xf32>,
        %parallel_loop3A_268 = arith.mulf %parallel_loop3A_266, %parallel_loop3A_267 : vector<16xf32>
        %parallel_loop3A_269 = arith.addf %parallel_loop3A_243, %parallel_loop3A_268 : vector<16xf32>
        %parallel_loop3A_270 = arith.constant 16 : i32
        %parallel_loop3A_271 = arith.muli %scan3A, %parallel_loop3A_270 : i32
        %parallel_loop3A_272 = arith.constant 8 : i32
        %parallel_loop3A_273 = arith.addi %parallel_loop3A_271, %parallel_loop3A_272 : i32
        %parallel_loop3A_274 = vector.broadcast %parallel_loop3A_273 : i32 to vector<16xi32>
        %parallel_loop3A_275 = arith.addi %iota3A, %parallel_loop3A_274 : vector<16xi32>
        %parallel_loop3A_276 = arith.constant 127 : i32
        %parallel_loop3A_277 = vector.broadcast %parallel_loop3A_276 : i32 to vector<16xi32>
        %parallel_loop3A_278 = arith.andi %parallel_loop3A_275, %parallel_loop3A_277 : vector<16xi32>
        %parallel_loop3A_279 = tpu.vector_load_idx %arg10[%parallel_loop3A_148, %parallel_loop3A_278] : memref<128x128xf32, #tpu.memory_space<vmem>>[vector<16xi32>, vector<16xi32>], vector<16xf32>,
        %parallel_loop3A_280 = tpu.vector_load_idx %arg13[%parallel_loop3A_148, %parallel_loop3A_278] : memref<128x128xf32, #tpu.memory_space<vmem>>[vector<16xi32>, vector<16xi32>], vector<16xf32>,
        %parallel_loop3A_281 = arith.mulf %parallel_loop3A_279, %parallel_loop3A_280 : vector<16xf32>
        %parallel_loop3A_282 = arith.addf %parallel_loop3A_256, %parallel_loop3A_281 : vector<16xf32>
        %parallel_loop3A_283 = arith.constant 16 : i32
        %parallel_loop3A_284 = arith.muli %scan3A, %parallel_loop3A_283 : i32
        %parallel_loop3A_285 = arith.constant 9 : i32
        %parallel_loop3A_286 = arith.addi %parallel_loop3A_284, %parallel_loop3A_285 : i32
        %parallel_loop3A_287 = vector.broadcast %parallel_loop3A_286 : i32 to vector<16xi32>
        %parallel_loop3A_288 = arith.addi %iota3A, %parallel_loop3A_287 : vector<16xi32>
        %parallel_loop3A_289 = arith.constant 127 : i32
        %parallel_loop3A_290 = vector.broadcast %parallel_loop3A_289 : i32 to vector<16xi32>
        %parallel_loop3A_291 = arith.andi %parallel_loop3A_288, %parallel_loop3A_290 : vector<16xi32>
        %parallel_loop3A_292 = tpu.vector_load_idx %arg10[%parallel_loop3A_148, %parallel_loop3A_291] : memref<128x128xf32, #tpu.memory_space<vmem>>[vector<16xi32>, vector<16xi32>], vector<16xf32>,
        %parallel_loop3A_293 = tpu.vector_load_idx %arg13[%parallel_loop3A_148, %parallel_loop3A_291] : memref<128x128xf32, #tpu.memory_space<vmem>>[vector<16xi32>, vector<16xi32>], vector<16xf32>,
        %parallel_loop3A_294 = arith.mulf %parallel_loop3A_292, %parallel_loop3A_293 : vector<16xf32>
        %parallel_loop3A_295 = arith.addf %parallel_loop3A_269, %parallel_loop3A_294 : vector<16xf32>
        %parallel_loop3A_296 = arith.constant 16 : i32
        %parallel_loop3A_297 = arith.muli %scan3A, %parallel_loop3A_296 : i32
        %parallel_loop3A_298 = arith.constant 10 : i32
        %parallel_loop3A_299 = arith.addi %parallel_loop3A_297, %parallel_loop3A_298 : i32
        %parallel_loop3A_300 = vector.broadcast %parallel_loop3A_299 : i32 to vector<16xi32>
        %parallel_loop3A_301 = arith.addi %iota3A, %parallel_loop3A_300 : vector<16xi32>
        %parallel_loop3A_302 = arith.constant 127 : i32
        %parallel_loop3A_303 = vector.broadcast %parallel_loop3A_302 : i32 to vector<16xi32>
        %parallel_loop3A_304 = arith.andi %parallel_loop3A_301, %parallel_loop3A_303 : vector<16xi32>
        %parallel_loop3A_305 = tpu.vector_load_idx %arg10[%parallel_loop3A_148, %parallel_loop3A_304] : memref<128x128xf32, #tpu.memory_space<vmem>>[vector<16xi32>, vector<16xi32>], vector<16xf32>,
        %parallel_loop3A_306 = tpu.vector_load_idx %arg13[%parallel_loop3A_148, %parallel_loop3A_304] : memref<128x128xf32, #tpu.memory_space<vmem>>[vector<16xi32>, vector<16xi32>], vector<16xf32>,
        %parallel_loop3A_307 = arith.mulf %parallel_loop3A_305, %parallel_loop3A_306 : vector<16xf32>
        %parallel_loop3A_308 = arith.addf %parallel_loop3A_282, %parallel_loop3A_307 : vector<16xf32>
        %parallel_loop3A_309 = arith.constant 16 : i32
        %parallel_loop3A_310 = arith.muli %scan3A, %parallel_loop3A_309 : i32
        %parallel_loop3A_311 = arith.constant 11 : i32
        %parallel_loop3A_312 = arith.addi %parallel_loop3A_310, %parallel_loop3A_311 : i32
        %parallel_loop3A_313 = vector.broadcast %parallel_loop3A_312 : i32 to vector<16xi32>
        %parallel_loop3A_314 = arith.addi %iota3A, %parallel_loop3A_313 : vector<16xi32>
        %parallel_loop3A_315 = arith.constant 127 : i32
        %parallel_loop3A_316 = vector.broadcast %parallel_loop3A_315 : i32 to vector<16xi32>
        %parallel_loop3A_317 = arith.andi %parallel_loop3A_314, %parallel_loop3A_316 : vector<16xi32>
        %parallel_loop3A_318 = tpu.vector_load_idx %arg10[%parallel_loop3A_148, %parallel_loop3A_317] : memref<128x128xf32, #tpu.memory_space<vmem>>[vector<16xi32>, vector<16xi32>], vector<16xf32>,
        %parallel_loop3A_319 = tpu.vector_load_idx %arg13[%parallel_loop3A_148, %parallel_loop3A_317] : memref<128x128xf32, #tpu.memory_space<vmem>>[vector<16xi32>, vector<16xi32>], vector<16xf32>,
        %parallel_loop3A_320 = arith.mulf %parallel_loop3A_318, %parallel_loop3A_319 : vector<16xf32>
        %parallel_loop3A_321 = arith.addf %parallel_loop3A_295, %parallel_loop3A_320 : vector<16xf32>
        %parallel_loop3A_322 = arith.constant 16 : i32
        %parallel_loop3A_323 = arith.muli %scan3A, %parallel_loop3A_322 : i32
        %parallel_loop3A_324 = arith.constant 12 : i32
        %parallel_loop3A_325 = arith.addi %parallel_loop3A_323, %parallel_loop3A_324 : i32
        %parallel_loop3A_326 = vector.broadcast %parallel_loop3A_325 : i32 to vector<16xi32>
        %parallel_loop3A_327 = arith.addi %iota3A, %parallel_loop3A_326 : vector<16xi32>
        %parallel_loop3A_328 = arith.constant 127 : i32
        %parallel_loop3A_329 = vector.broadcast %parallel_loop3A_328 : i32 to vector<16xi32>
        %parallel_loop3A_330 = arith.andi %parallel_loop3A_327, %parallel_loop3A_329 : vector<16xi32>
        %parallel_loop3A_331 = tpu.vector_load_idx %arg10[%parallel_loop3A_148, %parallel_loop3A_330] : memref<128x128xf32, #tpu.memory_space<vmem>>[vector<16xi32>, vector<16xi32>], vector<16xf32>,
        %parallel_loop3A_332 = tpu.vector_load_idx %arg13[%parallel_loop3A_148, %parallel_loop3A_330] : memref<128x128xf32, #tpu.memory_space<vmem>>[vector<16xi32>, vector<16xi32>], vector<16xf32>,
        %parallel_loop3A_333 = arith.mulf %parallel_loop3A_331, %parallel_loop3A_332 : vector<16xf32>
        %parallel_loop3A_334 = arith.addf %parallel_loop3A_308, %parallel_loop3A_333 : vector<16xf32>
        %parallel_loop3A_335 = arith.constant 16 : i32
        %parallel_loop3A_336 = arith.muli %scan3A, %parallel_loop3A_335 : i32
        %parallel_loop3A_337 = arith.constant 13 : i32
        %parallel_loop3A_338 = arith.addi %parallel_loop3A_336, %parallel_loop3A_337 : i32
        %parallel_loop3A_339 = vector.broadcast %parallel_loop3A_338 : i32 to vector<16xi32>
        %parallel_loop3A_340 = arith.addi %iota3A, %parallel_loop3A_339 : vector<16xi32>
        %parallel_loop3A_341 = arith.constant 127 : i32
        %parallel_loop3A_342 = vector.broadcast %parallel_loop3A_341 : i32 to vector<16xi32>
        %parallel_loop3A_343 = arith.andi %parallel_loop3A_340, %parallel_loop3A_342 : vector<16xi32>
        %parallel_loop3A_344 = tpu.vector_load_idx %arg10[%parallel_loop3A_148, %parallel_loop3A_343] : memref<128x128xf32, #tpu.memory_space<vmem>>[vector<16xi32>, vector<16xi32>], vector<16xf32>,
        %parallel_loop3A_345 = tpu.vector_load_idx %arg13[%parallel_loop3A_148, %parallel_loop3A_343] : memref<128x128xf32, #tpu.memory_space<vmem>>[vector<16xi32>, vector<16xi32>], vector<16xf32>,
        %parallel_loop3A_346 = arith.mulf %parallel_loop3A_344, %parallel_loop3A_345 : vector<16xf32>
        %parallel_loop3A_347 = arith.addf %parallel_loop3A_321, %parallel_loop3A_346 : vector<16xf32>
        %parallel_loop3A_348 = arith.constant 16 : i32
        %parallel_loop3A_349 = arith.muli %scan3A, %parallel_loop3A_348 : i32
        %parallel_loop3A_350 = arith.constant 14 : i32
        %parallel_loop3A_351 = arith.addi %parallel_loop3A_349, %parallel_loop3A_350 : i32
        %parallel_loop3A_352 = vector.broadcast %parallel_loop3A_351 : i32 to vector<16xi32>
        %parallel_loop3A_353 = arith.addi %iota3A, %parallel_loop3A_352 : vector<16xi32>
        %parallel_loop3A_354 = arith.constant 127 : i32
        %parallel_loop3A_355 = vector.broadcast %parallel_loop3A_354 : i32 to vector<16xi32>
        %parallel_loop3A_356 = arith.andi %parallel_loop3A_353, %parallel_loop3A_355 : vector<16xi32>
        %parallel_loop3A_357 = tpu.vector_load_idx %arg10[%parallel_loop3A_148, %parallel_loop3A_356] : memref<128x128xf32, #tpu.memory_space<vmem>>[vector<16xi32>, vector<16xi32>], vector<16xf32>,
        %parallel_loop3A_358 = tpu.vector_load_idx %arg13[%parallel_loop3A_148, %parallel_loop3A_356] : memref<128x128xf32, #tpu.memory_space<vmem>>[vector<16xi32>, vector<16xi32>], vector<16xf32>,
        %parallel_loop3A_359 = arith.mulf %parallel_loop3A_357, %parallel_loop3A_358 : vector<16xf32>
        %parallel_loop3A_360 = arith.addf %parallel_loop3A_334, %parallel_loop3A_359 : vector<16xf32>
        %parallel_loop3A_361 = arith.constant 16 : i32
        %parallel_loop3A_362 = arith.muli %scan3A, %parallel_loop3A_361 : i32
        %parallel_loop3A_363 = arith.constant 15 : i32
        %parallel_loop3A_364 = arith.addi %parallel_loop3A_362, %parallel_loop3A_363 : i32
        %parallel_loop3A_365 = vector.broadcast %parallel_loop3A_364 : i32 to vector<16xi32>
        %parallel_loop3A_366 = arith.addi %iota3A, %parallel_loop3A_365 : vector<16xi32>
        %parallel_loop3A_367 = arith.constant 127 : i32
        %parallel_loop3A_368 = vector.broadcast %parallel_loop3A_367 : i32 to vector<16xi32>
        %parallel_loop3A_369 = arith.andi %parallel_loop3A_366, %parallel_loop3A_368 : vector<16xi32>
        %parallel_loop3A_370 = tpu.vector_load_idx %arg10[%parallel_loop3A_148, %parallel_loop3A_369] : memref<128x128xf32, #tpu.memory_space<vmem>>[vector<16xi32>, vector<16xi32>], vector<16xf32>,
        %parallel_loop3A_371 = tpu.vector_load_idx %arg13[%parallel_loop3A_148, %parallel_loop3A_369] : memref<128x128xf32, #tpu.memory_space<vmem>>[vector<16xi32>, vector<16xi32>], vector<16xf32>,
        %parallel_loop3A_372 = arith.mulf %parallel_loop3A_370, %parallel_loop3A_371 : vector<16xf32>
        %parallel_loop3A_373 = arith.addf %parallel_loop3A_347, %parallel_loop3A_372 : vector<16xf32>
        scf.yield %parallel_loop3A_360, %parallel_loop3A_373 : vector<16xf32>, vector<16xf32>
      }
      %parallel_loop3A_156 = arith.constant 8 : i32
      %parallel_loop3A_157 = arith.addf %parallel_loop3A_155#0, %parallel_loop3A_155#1 : vector<16xf32>
      %parallel_loop3A_158 = arith.constant 16 : i32
      %parallel_loop3A_159 = arith.muli %parallel_loop3A_144, %parallel_loop3A_158 : i32
      %parallel_loop3A_160 = arith.constant 128 : i32
      %parallel_loop3A_161 = arith.addi %parallel_loop3A_160, %parallel_loop3A_159 : i32
      %parallel_loop3A_162 = arith.index_cast %parallel_loop3A_161 : i32 to index
      %parallel_loop3A_163 = tpu.vector_load %arg15[%parallel_loop3A_162] {strides = array<i32>} : memref<512xf32, #tpu.memory_space<vmem>>, vector<16xf32>,
      tpu.vector_store %arg15[%parallel_loop3A_162], %parallel_loop3A_157 {strides = array<i32>} : memref<512xf32, #tpu.memory_space<vmem>>, vector<16xf32>,
    } {sc.loop_unroll_factor = 1 : i64, sc.parallel_access}
    %dma_wait3A_108 = arith.constant 2 : i32
    %dma_wait3A_109 = arith.constant 0 : i32
    %dma_wait3A_110 = tpu.memref_slice %arg7[%dma_wait3A_108, %dma_wait3A_109] : memref<4x128xi32, #tpu.memory_space<vmem>> -> memref<1x128xi32, #tpu.memory_space<vmem>>
    %dma_wait3A_111 = tpu.memref_squeeze %dma_wait3A_110 : memref<1x128xi32, #tpu.memory_space<vmem>> -> memref<128xi32, #tpu.memory_space<vmem>>
    %dma_wait3A_112 = arith.constant 0 : i32
    %dma_wait3A_113 = arith.constant 0 : i32
    %dma_wait3A_114 = tpu.memref_slice %arg4[%dma_wait3A_112, %dma_wait3A_113] : memref<1000000x128xf32, #tpu.memory_space<hbm>> -> memref<1000000x128xf32, #tpu.memory_space<hbm>>
    tpu.wait_indirect_dma semaphore(%arg18 : memref<!tpu.dma_semaphore, #tpu.memory_space<semaphore_mem>>) src(%dma_wait3A_114 : memref<1000000x128xf32, #tpu.memory_space<hbm>>) dst(%arg11 : memref<128x128xf32, #tpu.memory_space<vmem>>)
    %dma_wait3A_115 = arith.constant 2 : i32
    %dma_wait3A_116 = arith.constant 0 : i32
    %dma_wait3A_117 = tpu.memref_slice %arg8[%dma_wait3A_115, %dma_wait3A_116] : memref<4x128xi32, #tpu.memory_space<vmem>> -> memref<1x128xi32, #tpu.memory_space<vmem>>
    %dma_wait3A_118 = tpu.memref_squeeze %dma_wait3A_117 : memref<1x128xi32, #tpu.memory_space<vmem>> -> memref<128xi32, #tpu.memory_space<vmem>>
    %dma_wait3A_119 = arith.constant 0 : i32
    %dma_wait3A_120 = arith.constant 0 : i32
    %dma_wait3A_121 = tpu.memref_slice %arg5[%dma_wait3A_119, %dma_wait3A_120] : memref<1000000x128xf32, #tpu.memory_space<hbm>> -> memref<1000000x128xf32, #tpu.memory_space<hbm>>
    tpu.wait_indirect_dma semaphore(%arg21 : memref<!tpu.dma_semaphore, #tpu.memory_space<semaphore_mem>>) src(%dma_wait3A_121 : memref<1000000x128xf32, #tpu.memory_space<hbm>>) dst(%arg14 : memref<128x128xf32, #tpu.memory_space<vmem>>)
    %parallel_loop3A_122 = arith.constant 0 : i32
    %parallel_loop3A_123 = arith.constant 8 : i32
    %parallel_loop3A_124 = arith.constant 1 : i32
    scf.for %parallel_loop3A_144 = %parallel_loop3A_122 to %parallel_loop3A_123 step %parallel_loop3A_124  : i32 {
      %parallel_loop3A_145 = arith.constant 16 : i32
      %parallel_loop3A_146 = arith.muli %parallel_loop3A_144, %parallel_loop3A_145 : i32
      %parallel_loop3A_147 = vector.broadcast %parallel_loop3A_146 : i32 to vector<16xi32>
      %parallel_loop3A_148 = arith.addi %parallel_loop3A_147, %iota3A : vector<16xi32>
      %parallel_loop3A_149 = arith.constant 0.000000e+00 : f32
      %parallel_loop3A_150 = vector.broadcast %parallel_loop3A_149 : f32 to vector<16xf32>
      %parallel_loop3A_151 = arith.constant 0 : i32
      %parallel_loop3A_152 = arith.constant 8 : i32
      %parallel_loop3A_153 = arith.addi %parallel_loop3A_151, %parallel_loop3A_152 : i32
      %parallel_loop3A_154 = arith.constant 1 : i32
      %parallel_loop3A_155:2 = scf.for %scan3A = %parallel_loop3A_151 to %parallel_loop3A_153 step %parallel_loop3A_154 iter_args(%scan3A_164 = %parallel_loop3A_150, %scan3A_165 = %parallel_loop3A_150) -> (vector<16xf32>, vector<16xf32>)  : i32 {
        %parallel_loop3A_166 = arith.constant 16 : i32
        %parallel_loop3A_167 = arith.muli %scan3A, %parallel_loop3A_166 : i32
        %parallel_loop3A_168 = arith.constant 0 : i32
        %parallel_loop3A_169 = arith.addi %parallel_loop3A_167, %parallel_loop3A_168 : i32
        %parallel_loop3A_170 = vector.broadcast %parallel_loop3A_169 : i32 to vector<16xi32>
        %parallel_loop3A_171 = arith.addi %iota3A, %parallel_loop3A_170 : vector<16xi32>
        %parallel_loop3A_172 = arith.constant 127 : i32
        %parallel_loop3A_173 = vector.broadcast %parallel_loop3A_172 : i32 to vector<16xi32>
        %parallel_loop3A_174 = arith.andi %parallel_loop3A_171, %parallel_loop3A_173 : vector<16xi32>
        %parallel_loop3A_175 = tpu.vector_load_idx %arg11[%parallel_loop3A_148, %parallel_loop3A_174] : memref<128x128xf32, #tpu.memory_space<vmem>>[vector<16xi32>, vector<16xi32>], vector<16xf32>,
        %parallel_loop3A_176 = tpu.vector_load_idx %arg14[%parallel_loop3A_148, %parallel_loop3A_174] : memref<128x128xf32, #tpu.memory_space<vmem>>[vector<16xi32>, vector<16xi32>], vector<16xf32>,
        %parallel_loop3A_177 = arith.mulf %parallel_loop3A_175, %parallel_loop3A_176 : vector<16xf32>
        %parallel_loop3A_178 = arith.addf %scan3A_164, %parallel_loop3A_177 : vector<16xf32>
        %parallel_loop3A_179 = arith.constant 16 : i32
        %parallel_loop3A_180 = arith.muli %scan3A, %parallel_loop3A_179 : i32
        %parallel_loop3A_181 = arith.constant 1 : i32
        %parallel_loop3A_182 = arith.addi %parallel_loop3A_180, %parallel_loop3A_181 : i32
        %parallel_loop3A_183 = vector.broadcast %parallel_loop3A_182 : i32 to vector<16xi32>
        %parallel_loop3A_184 = arith.addi %iota3A, %parallel_loop3A_183 : vector<16xi32>
        %parallel_loop3A_185 = arith.constant 127 : i32
        %parallel_loop3A_186 = vector.broadcast %parallel_loop3A_185 : i32 to vector<16xi32>
        %parallel_loop3A_187 = arith.andi %parallel_loop3A_184, %parallel_loop3A_186 : vector<16xi32>
        %parallel_loop3A_188 = tpu.vector_load_idx %arg11[%parallel_loop3A_148, %parallel_loop3A_187] : memref<128x128xf32, #tpu.memory_space<vmem>>[vector<16xi32>, vector<16xi32>], vector<16xf32>,
        %parallel_loop3A_189 = tpu.vector_load_idx %arg14[%parallel_loop3A_148, %parallel_loop3A_187] : memref<128x128xf32, #tpu.memory_space<vmem>>[vector<16xi32>, vector<16xi32>], vector<16xf32>,
        %parallel_loop3A_190 = arith.mulf %parallel_loop3A_188, %parallel_loop3A_189 : vector<16xf32>
        %parallel_loop3A_191 = arith.addf %scan3A_165, %parallel_loop3A_190 : vector<16xf32>
        %parallel_loop3A_192 = arith.constant 16 : i32
        %parallel_loop3A_193 = arith.muli %scan3A, %parallel_loop3A_192 : i32
        %parallel_loop3A_194 = arith.constant 2 : i32
        %parallel_loop3A_195 = arith.addi %parallel_loop3A_193, %parallel_loop3A_194 : i32
        %parallel_loop3A_196 = vector.broadcast %parallel_loop3A_195 : i32 to vector<16xi32>
        %parallel_loop3A_197 = arith.addi %iota3A, %parallel_loop3A_196 : vector<16xi32>
        %parallel_loop3A_198 = arith.constant 127 : i32
        %parallel_loop3A_199 = vector.broadcast %parallel_loop3A_198 : i32 to vector<16xi32>
        %parallel_loop3A_200 = arith.andi %parallel_loop3A_197, %parallel_loop3A_199 : vector<16xi32>
        %parallel_loop3A_201 = tpu.vector_load_idx %arg11[%parallel_loop3A_148, %parallel_loop3A_200] : memref<128x128xf32, #tpu.memory_space<vmem>>[vector<16xi32>, vector<16xi32>], vector<16xf32>,
        %parallel_loop3A_202 = tpu.vector_load_idx %arg14[%parallel_loop3A_148, %parallel_loop3A_200] : memref<128x128xf32, #tpu.memory_space<vmem>>[vector<16xi32>, vector<16xi32>], vector<16xf32>,
        %parallel_loop3A_203 = arith.mulf %parallel_loop3A_201, %parallel_loop3A_202 : vector<16xf32>
        %parallel_loop3A_204 = arith.addf %parallel_loop3A_178, %parallel_loop3A_203 : vector<16xf32>
        %parallel_loop3A_205 = arith.constant 16 : i32
        %parallel_loop3A_206 = arith.muli %scan3A, %parallel_loop3A_205 : i32
        %parallel_loop3A_207 = arith.constant 3 : i32
        %parallel_loop3A_208 = arith.addi %parallel_loop3A_206, %parallel_loop3A_207 : i32
        %parallel_loop3A_209 = vector.broadcast %parallel_loop3A_208 : i32 to vector<16xi32>
        %parallel_loop3A_210 = arith.addi %iota3A, %parallel_loop3A_209 : vector<16xi32>
        %parallel_loop3A_211 = arith.constant 127 : i32
        %parallel_loop3A_212 = vector.broadcast %parallel_loop3A_211 : i32 to vector<16xi32>
        %parallel_loop3A_213 = arith.andi %parallel_loop3A_210, %parallel_loop3A_212 : vector<16xi32>
        %parallel_loop3A_214 = tpu.vector_load_idx %arg11[%parallel_loop3A_148, %parallel_loop3A_213] : memref<128x128xf32, #tpu.memory_space<vmem>>[vector<16xi32>, vector<16xi32>], vector<16xf32>,
        %parallel_loop3A_215 = tpu.vector_load_idx %arg14[%parallel_loop3A_148, %parallel_loop3A_213] : memref<128x128xf32, #tpu.memory_space<vmem>>[vector<16xi32>, vector<16xi32>], vector<16xf32>,
        %parallel_loop3A_216 = arith.mulf %parallel_loop3A_214, %parallel_loop3A_215 : vector<16xf32>
        %parallel_loop3A_217 = arith.addf %parallel_loop3A_191, %parallel_loop3A_216 : vector<16xf32>
        %parallel_loop3A_218 = arith.constant 16 : i32
        %parallel_loop3A_219 = arith.muli %scan3A, %parallel_loop3A_218 : i32
        %parallel_loop3A_220 = arith.constant 4 : i32
        %parallel_loop3A_221 = arith.addi %parallel_loop3A_219, %parallel_loop3A_220 : i32
        %parallel_loop3A_222 = vector.broadcast %parallel_loop3A_221 : i32 to vector<16xi32>
        %parallel_loop3A_223 = arith.addi %iota3A, %parallel_loop3A_222 : vector<16xi32>
        %parallel_loop3A_224 = arith.constant 127 : i32
        %parallel_loop3A_225 = vector.broadcast %parallel_loop3A_224 : i32 to vector<16xi32>
        %parallel_loop3A_226 = arith.andi %parallel_loop3A_223, %parallel_loop3A_225 : vector<16xi32>
        %parallel_loop3A_227 = tpu.vector_load_idx %arg11[%parallel_loop3A_148, %parallel_loop3A_226] : memref<128x128xf32, #tpu.memory_space<vmem>>[vector<16xi32>, vector<16xi32>], vector<16xf32>,
        %parallel_loop3A_228 = tpu.vector_load_idx %arg14[%parallel_loop3A_148, %parallel_loop3A_226] : memref<128x128xf32, #tpu.memory_space<vmem>>[vector<16xi32>, vector<16xi32>], vector<16xf32>,
        %parallel_loop3A_229 = arith.mulf %parallel_loop3A_227, %parallel_loop3A_228 : vector<16xf32>
        %parallel_loop3A_230 = arith.addf %parallel_loop3A_204, %parallel_loop3A_229 : vector<16xf32>
        %parallel_loop3A_231 = arith.constant 16 : i32
        %parallel_loop3A_232 = arith.muli %scan3A, %parallel_loop3A_231 : i32
        %parallel_loop3A_233 = arith.constant 5 : i32
        %parallel_loop3A_234 = arith.addi %parallel_loop3A_232, %parallel_loop3A_233 : i32
        %parallel_loop3A_235 = vector.broadcast %parallel_loop3A_234 : i32 to vector<16xi32>
        %parallel_loop3A_236 = arith.addi %iota3A, %parallel_loop3A_235 : vector<16xi32>
        %parallel_loop3A_237 = arith.constant 127 : i32
        %parallel_loop3A_238 = vector.broadcast %parallel_loop3A_237 : i32 to vector<16xi32>
        %parallel_loop3A_239 = arith.andi %parallel_loop3A_236, %parallel_loop3A_238 : vector<16xi32>
        %parallel_loop3A_240 = tpu.vector_load_idx %arg11[%parallel_loop3A_148, %parallel_loop3A_239] : memref<128x128xf32, #tpu.memory_space<vmem>>[vector<16xi32>, vector<16xi32>], vector<16xf32>,
        %parallel_loop3A_241 = tpu.vector_load_idx %arg14[%parallel_loop3A_148, %parallel_loop3A_239] : memref<128x128xf32, #tpu.memory_space<vmem>>[vector<16xi32>, vector<16xi32>], vector<16xf32>,
        %parallel_loop3A_242 = arith.mulf %parallel_loop3A_240, %parallel_loop3A_241 : vector<16xf32>
        %parallel_loop3A_243 = arith.addf %parallel_loop3A_217, %parallel_loop3A_242 : vector<16xf32>
        %parallel_loop3A_244 = arith.constant 16 : i32
        %parallel_loop3A_245 = arith.muli %scan3A, %parallel_loop3A_244 : i32
        %parallel_loop3A_246 = arith.constant 6 : i32
        %parallel_loop3A_247 = arith.addi %parallel_loop3A_245, %parallel_loop3A_246 : i32
        %parallel_loop3A_248 = vector.broadcast %parallel_loop3A_247 : i32 to vector<16xi32>
        %parallel_loop3A_249 = arith.addi %iota3A, %parallel_loop3A_248 : vector<16xi32>
        %parallel_loop3A_250 = arith.constant 127 : i32
        %parallel_loop3A_251 = vector.broadcast %parallel_loop3A_250 : i32 to vector<16xi32>
        %parallel_loop3A_252 = arith.andi %parallel_loop3A_249, %parallel_loop3A_251 : vector<16xi32>
        %parallel_loop3A_253 = tpu.vector_load_idx %arg11[%parallel_loop3A_148, %parallel_loop3A_252] : memref<128x128xf32, #tpu.memory_space<vmem>>[vector<16xi32>, vector<16xi32>], vector<16xf32>,
        %parallel_loop3A_254 = tpu.vector_load_idx %arg14[%parallel_loop3A_148, %parallel_loop3A_252] : memref<128x128xf32, #tpu.memory_space<vmem>>[vector<16xi32>, vector<16xi32>], vector<16xf32>,
        %parallel_loop3A_255 = arith.mulf %parallel_loop3A_253, %parallel_loop3A_254 : vector<16xf32>
        %parallel_loop3A_256 = arith.addf %parallel_loop3A_230, %parallel_loop3A_255 : vector<16xf32>
        %parallel_loop3A_257 = arith.constant 16 : i32
        %parallel_loop3A_258 = arith.muli %scan3A, %parallel_loop3A_257 : i32
        %parallel_loop3A_259 = arith.constant 7 : i32
        %parallel_loop3A_260 = arith.addi %parallel_loop3A_258, %parallel_loop3A_259 : i32
        %parallel_loop3A_261 = vector.broadcast %parallel_loop3A_260 : i32 to vector<16xi32>
        %parallel_loop3A_262 = arith.addi %iota3A, %parallel_loop3A_261 : vector<16xi32>
        %parallel_loop3A_263 = arith.constant 127 : i32
        %parallel_loop3A_264 = vector.broadcast %parallel_loop3A_263 : i32 to vector<16xi32>
        %parallel_loop3A_265 = arith.andi %parallel_loop3A_262, %parallel_loop3A_264 : vector<16xi32>
        %parallel_loop3A_266 = tpu.vector_load_idx %arg11[%parallel_loop3A_148, %parallel_loop3A_265] : memref<128x128xf32, #tpu.memory_space<vmem>>[vector<16xi32>, vector<16xi32>], vector<16xf32>,
        %parallel_loop3A_267 = tpu.vector_load_idx %arg14[%parallel_loop3A_148, %parallel_loop3A_265] : memref<128x128xf32, #tpu.memory_space<vmem>>[vector<16xi32>, vector<16xi32>], vector<16xf32>,
        %parallel_loop3A_268 = arith.mulf %parallel_loop3A_266, %parallel_loop3A_267 : vector<16xf32>
        %parallel_loop3A_269 = arith.addf %parallel_loop3A_243, %parallel_loop3A_268 : vector<16xf32>
        %parallel_loop3A_270 = arith.constant 16 : i32
        %parallel_loop3A_271 = arith.muli %scan3A, %parallel_loop3A_270 : i32
        %parallel_loop3A_272 = arith.constant 8 : i32
        %parallel_loop3A_273 = arith.addi %parallel_loop3A_271, %parallel_loop3A_272 : i32
        %parallel_loop3A_274 = vector.broadcast %parallel_loop3A_273 : i32 to vector<16xi32>
        %parallel_loop3A_275 = arith.addi %iota3A, %parallel_loop3A_274 : vector<16xi32>
        %parallel_loop3A_276 = arith.constant 127 : i32
        %parallel_loop3A_277 = vector.broadcast %parallel_loop3A_276 : i32 to vector<16xi32>
        %parallel_loop3A_278 = arith.andi %parallel_loop3A_275, %parallel_loop3A_277 : vector<16xi32>
        %parallel_loop3A_279 = tpu.vector_load_idx %arg11[%parallel_loop3A_148, %parallel_loop3A_278] : memref<128x128xf32, #tpu.memory_space<vmem>>[vector<16xi32>, vector<16xi32>], vector<16xf32>,
        %parallel_loop3A_280 = tpu.vector_load_idx %arg14[%parallel_loop3A_148, %parallel_loop3A_278] : memref<128x128xf32, #tpu.memory_space<vmem>>[vector<16xi32>, vector<16xi32>], vector<16xf32>,
        %parallel_loop3A_281 = arith.mulf %parallel_loop3A_279, %parallel_loop3A_280 : vector<16xf32>
        %parallel_loop3A_282 = arith.addf %parallel_loop3A_256, %parallel_loop3A_281 : vector<16xf32>
        %parallel_loop3A_283 = arith.constant 16 : i32
        %parallel_loop3A_284 = arith.muli %scan3A, %parallel_loop3A_283 : i32
        %parallel_loop3A_285 = arith.constant 9 : i32
        %parallel_loop3A_286 = arith.addi %parallel_loop3A_284, %parallel_loop3A_285 : i32
        %parallel_loop3A_287 = vector.broadcast %parallel_loop3A_286 : i32 to vector<16xi32>
        %parallel_loop3A_288 = arith.addi %iota3A, %parallel_loop3A_287 : vector<16xi32>
        %parallel_loop3A_289 = arith.constant 127 : i32
        %parallel_loop3A_290 = vector.broadcast %parallel_loop3A_289 : i32 to vector<16xi32>
        %parallel_loop3A_291 = arith.andi %parallel_loop3A_288, %parallel_loop3A_290 : vector<16xi32>
        %parallel_loop3A_292 = tpu.vector_load_idx %arg11[%parallel_loop3A_148, %parallel_loop3A_291] : memref<128x128xf32, #tpu.memory_space<vmem>>[vector<16xi32>, vector<16xi32>], vector<16xf32>,
        %parallel_loop3A_293 = tpu.vector_load_idx %arg14[%parallel_loop3A_148, %parallel_loop3A_291] : memref<128x128xf32, #tpu.memory_space<vmem>>[vector<16xi32>, vector<16xi32>], vector<16xf32>,
        %parallel_loop3A_294 = arith.mulf %parallel_loop3A_292, %parallel_loop3A_293 : vector<16xf32>
        %parallel_loop3A_295 = arith.addf %parallel_loop3A_269, %parallel_loop3A_294 : vector<16xf32>
        %parallel_loop3A_296 = arith.constant 16 : i32
        %parallel_loop3A_297 = arith.muli %scan3A, %parallel_loop3A_296 : i32
        %parallel_loop3A_298 = arith.constant 10 : i32
        %parallel_loop3A_299 = arith.addi %parallel_loop3A_297, %parallel_loop3A_298 : i32
        %parallel_loop3A_300 = vector.broadcast %parallel_loop3A_299 : i32 to vector<16xi32>
        %parallel_loop3A_301 = arith.addi %iota3A, %parallel_loop3A_300 : vector<16xi32>
        %parallel_loop3A_302 = arith.constant 127 : i32
        %parallel_loop3A_303 = vector.broadcast %parallel_loop3A_302 : i32 to vector<16xi32>
        %parallel_loop3A_304 = arith.andi %parallel_loop3A_301, %parallel_loop3A_303 : vector<16xi32>
        %parallel_loop3A_305 = tpu.vector_load_idx %arg11[%parallel_loop3A_148, %parallel_loop3A_304] : memref<128x128xf32, #tpu.memory_space<vmem>>[vector<16xi32>, vector<16xi32>], vector<16xf32>,
        %parallel_loop3A_306 = tpu.vector_load_idx %arg14[%parallel_loop3A_148, %parallel_loop3A_304] : memref<128x128xf32, #tpu.memory_space<vmem>>[vector<16xi32>, vector<16xi32>], vector<16xf32>,
        %parallel_loop3A_307 = arith.mulf %parallel_loop3A_305, %parallel_loop3A_306 : vector<16xf32>
        %parallel_loop3A_308 = arith.addf %parallel_loop3A_282, %parallel_loop3A_307 : vector<16xf32>
        %parallel_loop3A_309 = arith.constant 16 : i32
        %parallel_loop3A_310 = arith.muli %scan3A, %parallel_loop3A_309 : i32
        %parallel_loop3A_311 = arith.constant 11 : i32
        %parallel_loop3A_312 = arith.addi %parallel_loop3A_310, %parallel_loop3A_311 : i32
        %parallel_loop3A_313 = vector.broadcast %parallel_loop3A_312 : i32 to vector<16xi32>
        %parallel_loop3A_314 = arith.addi %iota3A, %parallel_loop3A_313 : vector<16xi32>
        %parallel_loop3A_315 = arith.constant 127 : i32
        %parallel_loop3A_316 = vector.broadcast %parallel_loop3A_315 : i32 to vector<16xi32>
        %parallel_loop3A_317 = arith.andi %parallel_loop3A_314, %parallel_loop3A_316 : vector<16xi32>
        %parallel_loop3A_318 = tpu.vector_load_idx %arg11[%parallel_loop3A_148, %parallel_loop3A_317] : memref<128x128xf32, #tpu.memory_space<vmem>>[vector<16xi32>, vector<16xi32>], vector<16xf32>,
        %parallel_loop3A_319 = tpu.vector_load_idx %arg14[%parallel_loop3A_148, %parallel_loop3A_317] : memref<128x128xf32, #tpu.memory_space<vmem>>[vector<16xi32>, vector<16xi32>], vector<16xf32>,
        %parallel_loop3A_320 = arith.mulf %parallel_loop3A_318, %parallel_loop3A_319 : vector<16xf32>
        %parallel_loop3A_321 = arith.addf %parallel_loop3A_295, %parallel_loop3A_320 : vector<16xf32>
        %parallel_loop3A_322 = arith.constant 16 : i32
        %parallel_loop3A_323 = arith.muli %scan3A, %parallel_loop3A_322 : i32
        %parallel_loop3A_324 = arith.constant 12 : i32
        %parallel_loop3A_325 = arith.addi %parallel_loop3A_323, %parallel_loop3A_324 : i32
        %parallel_loop3A_326 = vector.broadcast %parallel_loop3A_325 : i32 to vector<16xi32>
        %parallel_loop3A_327 = arith.addi %iota3A, %parallel_loop3A_326 : vector<16xi32>
        %parallel_loop3A_328 = arith.constant 127 : i32
        %parallel_loop3A_329 = vector.broadcast %parallel_loop3A_328 : i32 to vector<16xi32>
        %parallel_loop3A_330 = arith.andi %parallel_loop3A_327, %parallel_loop3A_329 : vector<16xi32>
        %parallel_loop3A_331 = tpu.vector_load_idx %arg11[%parallel_loop3A_148, %parallel_loop3A_330] : memref<128x128xf32, #tpu.memory_space<vmem>>[vector<16xi32>, vector<16xi32>], vector<16xf32>,
        %parallel_loop3A_332 = tpu.vector_load_idx %arg14[%parallel_loop3A_148, %parallel_loop3A_330] : memref<128x128xf32, #tpu.memory_space<vmem>>[vector<16xi32>, vector<16xi32>], vector<16xf32>,
        %parallel_loop3A_333 = arith.mulf %parallel_loop3A_331, %parallel_loop3A_332 : vector<16xf32>
        %parallel_loop3A_334 = arith.addf %parallel_loop3A_308, %parallel_loop3A_333 : vector<16xf32>
        %parallel_loop3A_335 = arith.constant 16 : i32
        %parallel_loop3A_336 = arith.muli %scan3A, %parallel_loop3A_335 : i32
        %parallel_loop3A_337 = arith.constant 13 : i32
        %parallel_loop3A_338 = arith.addi %parallel_loop3A_336, %parallel_loop3A_337 : i32
        %parallel_loop3A_339 = vector.broadcast %parallel_loop3A_338 : i32 to vector<16xi32>
        %parallel_loop3A_340 = arith.addi %iota3A, %parallel_loop3A_339 : vector<16xi32>
        %parallel_loop3A_341 = arith.constant 127 : i32
        %parallel_loop3A_342 = vector.broadcast %parallel_loop3A_341 : i32 to vector<16xi32>
        %parallel_loop3A_343 = arith.andi %parallel_loop3A_340, %parallel_loop3A_342 : vector<16xi32>
        %parallel_loop3A_344 = tpu.vector_load_idx %arg11[%parallel_loop3A_148, %parallel_loop3A_343] : memref<128x128xf32, #tpu.memory_space<vmem>>[vector<16xi32>, vector<16xi32>], vector<16xf32>,
        %parallel_loop3A_345 = tpu.vector_load_idx %arg14[%parallel_loop3A_148, %parallel_loop3A_343] : memref<128x128xf32, #tpu.memory_space<vmem>>[vector<16xi32>, vector<16xi32>], vector<16xf32>,
        %parallel_loop3A_346 = arith.mulf %parallel_loop3A_344, %parallel_loop3A_345 : vector<16xf32>
        %parallel_loop3A_347 = arith.addf %parallel_loop3A_321, %parallel_loop3A_346 : vector<16xf32>
        %parallel_loop3A_348 = arith.constant 16 : i32
        %parallel_loop3A_349 = arith.muli %scan3A, %parallel_loop3A_348 : i32
        %parallel_loop3A_350 = arith.constant 14 : i32
        %parallel_loop3A_351 = arith.addi %parallel_loop3A_349, %parallel_loop3A_350 : i32
        %parallel_loop3A_352 = vector.broadcast %parallel_loop3A_351 : i32 to vector<16xi32>
        %parallel_loop3A_353 = arith.addi %iota3A, %parallel_loop3A_352 : vector<16xi32>
        %parallel_loop3A_354 = arith.constant 127 : i32
        %parallel_loop3A_355 = vector.broadcast %parallel_loop3A_354 : i32 to vector<16xi32>
        %parallel_loop3A_356 = arith.andi %parallel_loop3A_353, %parallel_loop3A_355 : vector<16xi32>
        %parallel_loop3A_357 = tpu.vector_load_idx %arg11[%parallel_loop3A_148, %parallel_loop3A_356] : memref<128x128xf32, #tpu.memory_space<vmem>>[vector<16xi32>, vector<16xi32>], vector<16xf32>,
        %parallel_loop3A_358 = tpu.vector_load_idx %arg14[%parallel_loop3A_148, %parallel_loop3A_356] : memref<128x128xf32, #tpu.memory_space<vmem>>[vector<16xi32>, vector<16xi32>], vector<16xf32>,
        %parallel_loop3A_359 = arith.mulf %parallel_loop3A_357, %parallel_loop3A_358 : vector<16xf32>
        %parallel_loop3A_360 = arith.addf %parallel_loop3A_334, %parallel_loop3A_359 : vector<16xf32>
        %parallel_loop3A_361 = arith.constant 16 : i32
        %parallel_loop3A_362 = arith.muli %scan3A, %parallel_loop3A_361 : i32
        %parallel_loop3A_363 = arith.constant 15 : i32
        %parallel_loop3A_364 = arith.addi %parallel_loop3A_362, %parallel_loop3A_363 : i32
        %parallel_loop3A_365 = vector.broadcast %parallel_loop3A_364 : i32 to vector<16xi32>
        %parallel_loop3A_366 = arith.addi %iota3A, %parallel_loop3A_365 : vector<16xi32>
        %parallel_loop3A_367 = arith.constant 127 : i32
        %parallel_loop3A_368 = vector.broadcast %parallel_loop3A_367 : i32 to vector<16xi32>
        %parallel_loop3A_369 = arith.andi %parallel_loop3A_366, %parallel_loop3A_368 : vector<16xi32>
        %parallel_loop3A_370 = tpu.vector_load_idx %arg11[%parallel_loop3A_148, %parallel_loop3A_369] : memref<128x128xf32, #tpu.memory_space<vmem>>[vector<16xi32>, vector<16xi32>], vector<16xf32>,
        %parallel_loop3A_371 = tpu.vector_load_idx %arg14[%parallel_loop3A_148, %parallel_loop3A_369] : memref<128x128xf32, #tpu.memory_space<vmem>>[vector<16xi32>, vector<16xi32>], vector<16xf32>,
        %parallel_loop3A_372 = arith.mulf %parallel_loop3A_370, %parallel_loop3A_371 : vector<16xf32>
        %parallel_loop3A_373 = arith.addf %parallel_loop3A_347, %parallel_loop3A_372 : vector<16xf32>
        scf.yield %parallel_loop3A_360, %parallel_loop3A_373 : vector<16xf32>, vector<16xf32>
      }
      %parallel_loop3A_156 = arith.constant 8 : i32
      %parallel_loop3A_157 = arith.addf %parallel_loop3A_155#0, %parallel_loop3A_155#1 : vector<16xf32>
      %parallel_loop3A_158 = arith.constant 16 : i32
      %parallel_loop3A_159 = arith.muli %parallel_loop3A_144, %parallel_loop3A_158 : i32
      %parallel_loop3A_160 = arith.constant 256 : i32
      %parallel_loop3A_161 = arith.addi %parallel_loop3A_160, %parallel_loop3A_159 : i32
      %parallel_loop3A_162 = arith.index_cast %parallel_loop3A_161 : i32 to index
      %parallel_loop3A_163 = tpu.vector_load %arg15[%parallel_loop3A_162] {strides = array<i32>} : memref<512xf32, #tpu.memory_space<vmem>>, vector<16xf32>,
      tpu.vector_store %arg15[%parallel_loop3A_162], %parallel_loop3A_157 {strides = array<i32>} : memref<512xf32, #tpu.memory_space<vmem>>, vector<16xf32>,
    } {sc.loop_unroll_factor = 1 : i64, sc.parallel_access}
    %dma_wait3A_125 = arith.constant 3 : i32
    %dma_wait3A_126 = arith.constant 0 : i32
    %dma_wait3A_127 = tpu.memref_slice %arg7[%dma_wait3A_125, %dma_wait3A_126] : memref<4x128xi32, #tpu.memory_space<vmem>> -> memref<1x128xi32, #tpu.memory_space<vmem>>
    %dma_wait3A_128 = tpu.memref_squeeze %dma_wait3A_127 : memref<1x128xi32, #tpu.memory_space<vmem>> -> memref<128xi32, #tpu.memory_space<vmem>>
    %dma_wait3A_129 = arith.constant 0 : i32
    %dma_wait3A_130 = arith.constant 0 : i32
    %dma_wait3A_131 = tpu.memref_slice %arg4[%dma_wait3A_129, %dma_wait3A_130] : memref<1000000x128xf32, #tpu.memory_space<hbm>> -> memref<1000000x128xf32, #tpu.memory_space<hbm>>
    tpu.wait_indirect_dma semaphore(%arg16 : memref<!tpu.dma_semaphore, #tpu.memory_space<semaphore_mem>>) src(%dma_wait3A_131 : memref<1000000x128xf32, #tpu.memory_space<hbm>>) dst(%arg9 : memref<128x128xf32, #tpu.memory_space<vmem>>)
    %dma_wait3A_132 = arith.constant 3 : i32
    %dma_wait3A_133 = arith.constant 0 : i32
    %dma_wait3A_134 = tpu.memref_slice %arg8[%dma_wait3A_132, %dma_wait3A_133] : memref<4x128xi32, #tpu.memory_space<vmem>> -> memref<1x128xi32, #tpu.memory_space<vmem>>
    %dma_wait3A_135 = tpu.memref_squeeze %dma_wait3A_134 : memref<1x128xi32, #tpu.memory_space<vmem>> -> memref<128xi32, #tpu.memory_space<vmem>>
    %dma_wait3A_136 = arith.constant 0 : i32
    %dma_wait3A_137 = arith.constant 0 : i32
    %dma_wait3A_138 = tpu.memref_slice %arg5[%dma_wait3A_136, %dma_wait3A_137] : memref<1000000x128xf32, #tpu.memory_space<hbm>> -> memref<1000000x128xf32, #tpu.memory_space<hbm>>
    tpu.wait_indirect_dma semaphore(%arg19 : memref<!tpu.dma_semaphore, #tpu.memory_space<semaphore_mem>>) src(%dma_wait3A_138 : memref<1000000x128xf32, #tpu.memory_space<hbm>>) dst(%arg12 : memref<128x128xf32, #tpu.memory_space<vmem>>)
    %parallel_loop3A_139 = arith.constant 0 : i32
    %parallel_loop3A_140 = arith.constant 8 : i32
    %parallel_loop3A_141 = arith.constant 1 : i32
    scf.for %parallel_loop3A_144 = %parallel_loop3A_139 to %parallel_loop3A_140 step %parallel_loop3A_141  : i32 {
      %parallel_loop3A_145 = arith.constant 16 : i32
      %parallel_loop3A_146 = arith.muli %parallel_loop3A_144, %parallel_loop3A_145 : i32
      %parallel_loop3A_147 = vector.broadcast %parallel_loop3A_146 : i32 to vector<16xi32>
      %parallel_loop3A_148 = arith.addi %parallel_loop3A_147, %iota3A : vector<16xi32>
      %parallel_loop3A_149 = arith.constant 0.000000e+00 : f32
      %parallel_loop3A_150 = vector.broadcast %parallel_loop3A_149 : f32 to vector<16xf32>
      %parallel_loop3A_151 = arith.constant 0 : i32
      %parallel_loop3A_152 = arith.constant 8 : i32
      %parallel_loop3A_153 = arith.addi %parallel_loop3A_151, %parallel_loop3A_152 : i32
      %parallel_loop3A_154 = arith.constant 1 : i32
      %parallel_loop3A_155:2 = scf.for %scan3A = %parallel_loop3A_151 to %parallel_loop3A_153 step %parallel_loop3A_154 iter_args(%scan3A_164 = %parallel_loop3A_150, %scan3A_165 = %parallel_loop3A_150) -> (vector<16xf32>, vector<16xf32>)  : i32 {
        %parallel_loop3A_166 = arith.constant 16 : i32
        %parallel_loop3A_167 = arith.muli %scan3A, %parallel_loop3A_166 : i32
        %parallel_loop3A_168 = arith.constant 0 : i32
        %parallel_loop3A_169 = arith.addi %parallel_loop3A_167, %parallel_loop3A_168 : i32
        %parallel_loop3A_170 = vector.broadcast %parallel_loop3A_169 : i32 to vector<16xi32>
        %parallel_loop3A_171 = arith.addi %iota3A, %parallel_loop3A_170 : vector<16xi32>
        %parallel_loop3A_172 = arith.constant 127 : i32
        %parallel_loop3A_173 = vector.broadcast %parallel_loop3A_172 : i32 to vector<16xi32>
        %parallel_loop3A_174 = arith.andi %parallel_loop3A_171, %parallel_loop3A_173 : vector<16xi32>
        %parallel_loop3A_175 = tpu.vector_load_idx %arg9[%parallel_loop3A_148, %parallel_loop3A_174] : memref<128x128xf32, #tpu.memory_space<vmem>>[vector<16xi32>, vector<16xi32>], vector<16xf32>,
        %parallel_loop3A_176 = tpu.vector_load_idx %arg12[%parallel_loop3A_148, %parallel_loop3A_174] : memref<128x128xf32, #tpu.memory_space<vmem>>[vector<16xi32>, vector<16xi32>], vector<16xf32>,
        %parallel_loop3A_177 = arith.mulf %parallel_loop3A_175, %parallel_loop3A_176 : vector<16xf32>
        %parallel_loop3A_178 = arith.addf %scan3A_164, %parallel_loop3A_177 : vector<16xf32>
        %parallel_loop3A_179 = arith.constant 16 : i32
        %parallel_loop3A_180 = arith.muli %scan3A, %parallel_loop3A_179 : i32
        %parallel_loop3A_181 = arith.constant 1 : i32
        %parallel_loop3A_182 = arith.addi %parallel_loop3A_180, %parallel_loop3A_181 : i32
        %parallel_loop3A_183 = vector.broadcast %parallel_loop3A_182 : i32 to vector<16xi32>
        %parallel_loop3A_184 = arith.addi %iota3A, %parallel_loop3A_183 : vector<16xi32>
        %parallel_loop3A_185 = arith.constant 127 : i32
        %parallel_loop3A_186 = vector.broadcast %parallel_loop3A_185 : i32 to vector<16xi32>
        %parallel_loop3A_187 = arith.andi %parallel_loop3A_184, %parallel_loop3A_186 : vector<16xi32>
        %parallel_loop3A_188 = tpu.vector_load_idx %arg9[%parallel_loop3A_148, %parallel_loop3A_187] : memref<128x128xf32, #tpu.memory_space<vmem>>[vector<16xi32>, vector<16xi32>], vector<16xf32>,
        %parallel_loop3A_189 = tpu.vector_load_idx %arg12[%parallel_loop3A_148, %parallel_loop3A_187] : memref<128x128xf32, #tpu.memory_space<vmem>>[vector<16xi32>, vector<16xi32>], vector<16xf32>,
        %parallel_loop3A_190 = arith.mulf %parallel_loop3A_188, %parallel_loop3A_189 : vector<16xf32>
        %parallel_loop3A_191 = arith.addf %scan3A_165, %parallel_loop3A_190 : vector<16xf32>
        %parallel_loop3A_192 = arith.constant 16 : i32
        %parallel_loop3A_193 = arith.muli %scan3A, %parallel_loop3A_192 : i32
        %parallel_loop3A_194 = arith.constant 2 : i32
        %parallel_loop3A_195 = arith.addi %parallel_loop3A_193, %parallel_loop3A_194 : i32
        %parallel_loop3A_196 = vector.broadcast %parallel_loop3A_195 : i32 to vector<16xi32>
        %parallel_loop3A_197 = arith.addi %iota3A, %parallel_loop3A_196 : vector<16xi32>
        %parallel_loop3A_198 = arith.constant 127 : i32
        %parallel_loop3A_199 = vector.broadcast %parallel_loop3A_198 : i32 to vector<16xi32>
        %parallel_loop3A_200 = arith.andi %parallel_loop3A_197, %parallel_loop3A_199 : vector<16xi32>
        %parallel_loop3A_201 = tpu.vector_load_idx %arg9[%parallel_loop3A_148, %parallel_loop3A_200] : memref<128x128xf32, #tpu.memory_space<vmem>>[vector<16xi32>, vector<16xi32>], vector<16xf32>,
        %parallel_loop3A_202 = tpu.vector_load_idx %arg12[%parallel_loop3A_148, %parallel_loop3A_200] : memref<128x128xf32, #tpu.memory_space<vmem>>[vector<16xi32>, vector<16xi32>], vector<16xf32>,
        %parallel_loop3A_203 = arith.mulf %parallel_loop3A_201, %parallel_loop3A_202 : vector<16xf32>
        %parallel_loop3A_204 = arith.addf %parallel_loop3A_178, %parallel_loop3A_203 : vector<16xf32>
        %parallel_loop3A_205 = arith.constant 16 : i32
        %parallel_loop3A_206 = arith.muli %scan3A, %parallel_loop3A_205 : i32
        %parallel_loop3A_207 = arith.constant 3 : i32
        %parallel_loop3A_208 = arith.addi %parallel_loop3A_206, %parallel_loop3A_207 : i32
        %parallel_loop3A_209 = vector.broadcast %parallel_loop3A_208 : i32 to vector<16xi32>
        %parallel_loop3A_210 = arith.addi %iota3A, %parallel_loop3A_209 : vector<16xi32>
        %parallel_loop3A_211 = arith.constant 127 : i32
        %parallel_loop3A_212 = vector.broadcast %parallel_loop3A_211 : i32 to vector<16xi32>
        %parallel_loop3A_213 = arith.andi %parallel_loop3A_210, %parallel_loop3A_212 : vector<16xi32>
        %parallel_loop3A_214 = tpu.vector_load_idx %arg9[%parallel_loop3A_148, %parallel_loop3A_213] : memref<128x128xf32, #tpu.memory_space<vmem>>[vector<16xi32>, vector<16xi32>], vector<16xf32>,
        %parallel_loop3A_215 = tpu.vector_load_idx %arg12[%parallel_loop3A_148, %parallel_loop3A_213] : memref<128x128xf32, #tpu.memory_space<vmem>>[vector<16xi32>, vector<16xi32>], vector<16xf32>,
        %parallel_loop3A_216 = arith.mulf %parallel_loop3A_214, %parallel_loop3A_215 : vector<16xf32>
        %parallel_loop3A_217 = arith.addf %parallel_loop3A_191, %parallel_loop3A_216 : vector<16xf32>
        %parallel_loop3A_218 = arith.constant 16 : i32
        %parallel_loop3A_219 = arith.muli %scan3A, %parallel_loop3A_218 : i32
        %parallel_loop3A_220 = arith.constant 4 : i32
        %parallel_loop3A_221 = arith.addi %parallel_loop3A_219, %parallel_loop3A_220 : i32
        %parallel_loop3A_222 = vector.broadcast %parallel_loop3A_221 : i32 to vector<16xi32>
        %parallel_loop3A_223 = arith.addi %iota3A, %parallel_loop3A_222 : vector<16xi32>
        %parallel_loop3A_224 = arith.constant 127 : i32
        %parallel_loop3A_225 = vector.broadcast %parallel_loop3A_224 : i32 to vector<16xi32>
        %parallel_loop3A_226 = arith.andi %parallel_loop3A_223, %parallel_loop3A_225 : vector<16xi32>
        %parallel_loop3A_227 = tpu.vector_load_idx %arg9[%parallel_loop3A_148, %parallel_loop3A_226] : memref<128x128xf32, #tpu.memory_space<vmem>>[vector<16xi32>, vector<16xi32>], vector<16xf32>,
        %parallel_loop3A_228 = tpu.vector_load_idx %arg12[%parallel_loop3A_148, %parallel_loop3A_226] : memref<128x128xf32, #tpu.memory_space<vmem>>[vector<16xi32>, vector<16xi32>], vector<16xf32>,
        %parallel_loop3A_229 = arith.mulf %parallel_loop3A_227, %parallel_loop3A_228 : vector<16xf32>
        %parallel_loop3A_230 = arith.addf %parallel_loop3A_204, %parallel_loop3A_229 : vector<16xf32>
        %parallel_loop3A_231 = arith.constant 16 : i32
        %parallel_loop3A_232 = arith.muli %scan3A, %parallel_loop3A_231 : i32
        %parallel_loop3A_233 = arith.constant 5 : i32
        %parallel_loop3A_234 = arith.addi %parallel_loop3A_232, %parallel_loop3A_233 : i32
        %parallel_loop3A_235 = vector.broadcast %parallel_loop3A_234 : i32 to vector<16xi32>
        %parallel_loop3A_236 = arith.addi %iota3A, %parallel_loop3A_235 : vector<16xi32>
        %parallel_loop3A_237 = arith.constant 127 : i32
        %parallel_loop3A_238 = vector.broadcast %parallel_loop3A_237 : i32 to vector<16xi32>
        %parallel_loop3A_239 = arith.andi %parallel_loop3A_236, %parallel_loop3A_238 : vector<16xi32>
        %parallel_loop3A_240 = tpu.vector_load_idx %arg9[%parallel_loop3A_148, %parallel_loop3A_239] : memref<128x128xf32, #tpu.memory_space<vmem>>[vector<16xi32>, vector<16xi32>], vector<16xf32>,
        %parallel_loop3A_241 = tpu.vector_load_idx %arg12[%parallel_loop3A_148, %parallel_loop3A_239] : memref<128x128xf32, #tpu.memory_space<vmem>>[vector<16xi32>, vector<16xi32>], vector<16xf32>,
        %parallel_loop3A_242 = arith.mulf %parallel_loop3A_240, %parallel_loop3A_241 : vector<16xf32>
        %parallel_loop3A_243 = arith.addf %parallel_loop3A_217, %parallel_loop3A_242 : vector<16xf32>
        %parallel_loop3A_244 = arith.constant 16 : i32
        %parallel_loop3A_245 = arith.muli %scan3A, %parallel_loop3A_244 : i32
        %parallel_loop3A_246 = arith.constant 6 : i32
        %parallel_loop3A_247 = arith.addi %parallel_loop3A_245, %parallel_loop3A_246 : i32
        %parallel_loop3A_248 = vector.broadcast %parallel_loop3A_247 : i32 to vector<16xi32>
        %parallel_loop3A_249 = arith.addi %iota3A, %parallel_loop3A_248 : vector<16xi32>
        %parallel_loop3A_250 = arith.constant 127 : i32
        %parallel_loop3A_251 = vector.broadcast %parallel_loop3A_250 : i32 to vector<16xi32>
        %parallel_loop3A_252 = arith.andi %parallel_loop3A_249, %parallel_loop3A_251 : vector<16xi32>
        %parallel_loop3A_253 = tpu.vector_load_idx %arg9[%parallel_loop3A_148, %parallel_loop3A_252] : memref<128x128xf32, #tpu.memory_space<vmem>>[vector<16xi32>, vector<16xi32>], vector<16xf32>,
        %parallel_loop3A_254 = tpu.vector_load_idx %arg12[%parallel_loop3A_148, %parallel_loop3A_252] : memref<128x128xf32, #tpu.memory_space<vmem>>[vector<16xi32>, vector<16xi32>], vector<16xf32>,
        %parallel_loop3A_255 = arith.mulf %parallel_loop3A_253, %parallel_loop3A_254 : vector<16xf32>
        %parallel_loop3A_256 = arith.addf %parallel_loop3A_230, %parallel_loop3A_255 : vector<16xf32>
        %parallel_loop3A_257 = arith.constant 16 : i32
        %parallel_loop3A_258 = arith.muli %scan3A, %parallel_loop3A_257 : i32
        %parallel_loop3A_259 = arith.constant 7 : i32
        %parallel_loop3A_260 = arith.addi %parallel_loop3A_258, %parallel_loop3A_259 : i32
        %parallel_loop3A_261 = vector.broadcast %parallel_loop3A_260 : i32 to vector<16xi32>
        %parallel_loop3A_262 = arith.addi %iota3A, %parallel_loop3A_261 : vector<16xi32>
        %parallel_loop3A_263 = arith.constant 127 : i32
        %parallel_loop3A_264 = vector.broadcast %parallel_loop3A_263 : i32 to vector<16xi32>
        %parallel_loop3A_265 = arith.andi %parallel_loop3A_262, %parallel_loop3A_264 : vector<16xi32>
        %parallel_loop3A_266 = tpu.vector_load_idx %arg9[%parallel_loop3A_148, %parallel_loop3A_265] : memref<128x128xf32, #tpu.memory_space<vmem>>[vector<16xi32>, vector<16xi32>], vector<16xf32>,
        %parallel_loop3A_267 = tpu.vector_load_idx %arg12[%parallel_loop3A_148, %parallel_loop3A_265] : memref<128x128xf32, #tpu.memory_space<vmem>>[vector<16xi32>, vector<16xi32>], vector<16xf32>,
        %parallel_loop3A_268 = arith.mulf %parallel_loop3A_266, %parallel_loop3A_267 : vector<16xf32>
        %parallel_loop3A_269 = arith.addf %parallel_loop3A_243, %parallel_loop3A_268 : vector<16xf32>
        %parallel_loop3A_270 = arith.constant 16 : i32
        %parallel_loop3A_271 = arith.muli %scan3A, %parallel_loop3A_270 : i32
        %parallel_loop3A_272 = arith.constant 8 : i32
        %parallel_loop3A_273 = arith.addi %parallel_loop3A_271, %parallel_loop3A_272 : i32
        %parallel_loop3A_274 = vector.broadcast %parallel_loop3A_273 : i32 to vector<16xi32>
        %parallel_loop3A_275 = arith.addi %iota3A, %parallel_loop3A_274 : vector<16xi32>
        %parallel_loop3A_276 = arith.constant 127 : i32
        %parallel_loop3A_277 = vector.broadcast %parallel_loop3A_276 : i32 to vector<16xi32>
        %parallel_loop3A_278 = arith.andi %parallel_loop3A_275, %parallel_loop3A_277 : vector<16xi32>
        %parallel_loop3A_279 = tpu.vector_load_idx %arg9[%parallel_loop3A_148, %parallel_loop3A_278] : memref<128x128xf32, #tpu.memory_space<vmem>>[vector<16xi32>, vector<16xi32>], vector<16xf32>,
        %parallel_loop3A_280 = tpu.vector_load_idx %arg12[%parallel_loop3A_148, %parallel_loop3A_278] : memref<128x128xf32, #tpu.memory_space<vmem>>[vector<16xi32>, vector<16xi32>], vector<16xf32>,
        %parallel_loop3A_281 = arith.mulf %parallel_loop3A_279, %parallel_loop3A_280 : vector<16xf32>
        %parallel_loop3A_282 = arith.addf %parallel_loop3A_256, %parallel_loop3A_281 : vector<16xf32>
        %parallel_loop3A_283 = arith.constant 16 : i32
        %parallel_loop3A_284 = arith.muli %scan3A, %parallel_loop3A_283 : i32
        %parallel_loop3A_285 = arith.constant 9 : i32
        %parallel_loop3A_286 = arith.addi %parallel_loop3A_284, %parallel_loop3A_285 : i32
        %parallel_loop3A_287 = vector.broadcast %parallel_loop3A_286 : i32 to vector<16xi32>
        %parallel_loop3A_288 = arith.addi %iota3A, %parallel_loop3A_287 : vector<16xi32>
        %parallel_loop3A_289 = arith.constant 127 : i32
        %parallel_loop3A_290 = vector.broadcast %parallel_loop3A_289 : i32 to vector<16xi32>
        %parallel_loop3A_291 = arith.andi %parallel_loop3A_288, %parallel_loop3A_290 : vector<16xi32>
        %parallel_loop3A_292 = tpu.vector_load_idx %arg9[%parallel_loop3A_148, %parallel_loop3A_291] : memref<128x128xf32, #tpu.memory_space<vmem>>[vector<16xi32>, vector<16xi32>], vector<16xf32>,
        %parallel_loop3A_293 = tpu.vector_load_idx %arg12[%parallel_loop3A_148, %parallel_loop3A_291] : memref<128x128xf32, #tpu.memory_space<vmem>>[vector<16xi32>, vector<16xi32>], vector<16xf32>,
        %parallel_loop3A_294 = arith.mulf %parallel_loop3A_292, %parallel_loop3A_293 : vector<16xf32>
        %parallel_loop3A_295 = arith.addf %parallel_loop3A_269, %parallel_loop3A_294 : vector<16xf32>
        %parallel_loop3A_296 = arith.constant 16 : i32
        %parallel_loop3A_297 = arith.muli %scan3A, %parallel_loop3A_296 : i32
        %parallel_loop3A_298 = arith.constant 10 : i32
        %parallel_loop3A_299 = arith.addi %parallel_loop3A_297, %parallel_loop3A_298 : i32
        %parallel_loop3A_300 = vector.broadcast %parallel_loop3A_299 : i32 to vector<16xi32>
        %parallel_loop3A_301 = arith.addi %iota3A, %parallel_loop3A_300 : vector<16xi32>
        %parallel_loop3A_302 = arith.constant 127 : i32
        %parallel_loop3A_303 = vector.broadcast %parallel_loop3A_302 : i32 to vector<16xi32>
        %parallel_loop3A_304 = arith.andi %parallel_loop3A_301, %parallel_loop3A_303 : vector<16xi32>
        %parallel_loop3A_305 = tpu.vector_load_idx %arg9[%parallel_loop3A_148, %parallel_loop3A_304] : memref<128x128xf32, #tpu.memory_space<vmem>>[vector<16xi32>, vector<16xi32>], vector<16xf32>,
        %parallel_loop3A_306 = tpu.vector_load_idx %arg12[%parallel_loop3A_148, %parallel_loop3A_304] : memref<128x128xf32, #tpu.memory_space<vmem>>[vector<16xi32>, vector<16xi32>], vector<16xf32>,
        %parallel_loop3A_307 = arith.mulf %parallel_loop3A_305, %parallel_loop3A_306 : vector<16xf32>
        %parallel_loop3A_308 = arith.addf %parallel_loop3A_282, %parallel_loop3A_307 : vector<16xf32>
        %parallel_loop3A_309 = arith.constant 16 : i32
        %parallel_loop3A_310 = arith.muli %scan3A, %parallel_loop3A_309 : i32
        %parallel_loop3A_311 = arith.constant 11 : i32
        %parallel_loop3A_312 = arith.addi %parallel_loop3A_310, %parallel_loop3A_311 : i32
        %parallel_loop3A_313 = vector.broadcast %parallel_loop3A_312 : i32 to vector<16xi32>
        %parallel_loop3A_314 = arith.addi %iota3A, %parallel_loop3A_313 : vector<16xi32>
        %parallel_loop3A_315 = arith.constant 127 : i32
        %parallel_loop3A_316 = vector.broadcast %parallel_loop3A_315 : i32 to vector<16xi32>
        %parallel_loop3A_317 = arith.andi %parallel_loop3A_314, %parallel_loop3A_316 : vector<16xi32>
        %parallel_loop3A_318 = tpu.vector_load_idx %arg9[%parallel_loop3A_148, %parallel_loop3A_317] : memref<128x128xf32, #tpu.memory_space<vmem>>[vector<16xi32>, vector<16xi32>], vector<16xf32>,
        %parallel_loop3A_319 = tpu.vector_load_idx %arg12[%parallel_loop3A_148, %parallel_loop3A_317] : memref<128x128xf32, #tpu.memory_space<vmem>>[vector<16xi32>, vector<16xi32>], vector<16xf32>,
        %parallel_loop3A_320 = arith.mulf %parallel_loop3A_318, %parallel_loop3A_319 : vector<16xf32>
        %parallel_loop3A_321 = arith.addf %parallel_loop3A_295, %parallel_loop3A_320 : vector<16xf32>
        %parallel_loop3A_322 = arith.constant 16 : i32
        %parallel_loop3A_323 = arith.muli %scan3A, %parallel_loop3A_322 : i32
        %parallel_loop3A_324 = arith.constant 12 : i32
        %parallel_loop3A_325 = arith.addi %parallel_loop3A_323, %parallel_loop3A_324 : i32
        %parallel_loop3A_326 = vector.broadcast %parallel_loop3A_325 : i32 to vector<16xi32>
        %parallel_loop3A_327 = arith.addi %iota3A, %parallel_loop3A_326 : vector<16xi32>
        %parallel_loop3A_328 = arith.constant 127 : i32
        %parallel_loop3A_329 = vector.broadcast %parallel_loop3A_328 : i32 to vector<16xi32>
        %parallel_loop3A_330 = arith.andi %parallel_loop3A_327, %parallel_loop3A_329 : vector<16xi32>
        %parallel_loop3A_331 = tpu.vector_load_idx %arg9[%parallel_loop3A_148, %parallel_loop3A_330] : memref<128x128xf32, #tpu.memory_space<vmem>>[vector<16xi32>, vector<16xi32>], vector<16xf32>,
        %parallel_loop3A_332 = tpu.vector_load_idx %arg12[%parallel_loop3A_148, %parallel_loop3A_330] : memref<128x128xf32, #tpu.memory_space<vmem>>[vector<16xi32>, vector<16xi32>], vector<16xf32>,
        %parallel_loop3A_333 = arith.mulf %parallel_loop3A_331, %parallel_loop3A_332 : vector<16xf32>
        %parallel_loop3A_334 = arith.addf %parallel_loop3A_308, %parallel_loop3A_333 : vector<16xf32>
        %parallel_loop3A_335 = arith.constant 16 : i32
        %parallel_loop3A_336 = arith.muli %scan3A, %parallel_loop3A_335 : i32
        %parallel_loop3A_337 = arith.constant 13 : i32
        %parallel_loop3A_338 = arith.addi %parallel_loop3A_336, %parallel_loop3A_337 : i32
        %parallel_loop3A_339 = vector.broadcast %parallel_loop3A_338 : i32 to vector<16xi32>
        %parallel_loop3A_340 = arith.addi %iota3A, %parallel_loop3A_339 : vector<16xi32>
        %parallel_loop3A_341 = arith.constant 127 : i32
        %parallel_loop3A_342 = vector.broadcast %parallel_loop3A_341 : i32 to vector<16xi32>
        %parallel_loop3A_343 = arith.andi %parallel_loop3A_340, %parallel_loop3A_342 : vector<16xi32>
        %parallel_loop3A_344 = tpu.vector_load_idx %arg9[%parallel_loop3A_148, %parallel_loop3A_343] : memref<128x128xf32, #tpu.memory_space<vmem>>[vector<16xi32>, vector<16xi32>], vector<16xf32>,
        %parallel_loop3A_345 = tpu.vector_load_idx %arg12[%parallel_loop3A_148, %parallel_loop3A_343] : memref<128x128xf32, #tpu.memory_space<vmem>>[vector<16xi32>, vector<16xi32>], vector<16xf32>,
        %parallel_loop3A_346 = arith.mulf %parallel_loop3A_344, %parallel_loop3A_345 : vector<16xf32>
        %parallel_loop3A_347 = arith.addf %parallel_loop3A_321, %parallel_loop3A_346 : vector<16xf32>
        %parallel_loop3A_348 = arith.constant 16 : i32
        %parallel_loop3A_349 = arith.muli %scan3A, %parallel_loop3A_348 : i32
        %parallel_loop3A_350 = arith.constant 14 : i32
        %parallel_loop3A_351 = arith.addi %parallel_loop3A_349, %parallel_loop3A_350 : i32
        %parallel_loop3A_352 = vector.broadcast %parallel_loop3A_351 : i32 to vector<16xi32>
        %parallel_loop3A_353 = arith.addi %iota3A, %parallel_loop3A_352 : vector<16xi32>
        %parallel_loop3A_354 = arith.constant 127 : i32
        %parallel_loop3A_355 = vector.broadcast %parallel_loop3A_354 : i32 to vector<16xi32>
        %parallel_loop3A_356 = arith.andi %parallel_loop3A_353, %parallel_loop3A_355 : vector<16xi32>
        %parallel_loop3A_357 = tpu.vector_load_idx %arg9[%parallel_loop3A_148, %parallel_loop3A_356] : memref<128x128xf32, #tpu.memory_space<vmem>>[vector<16xi32>, vector<16xi32>], vector<16xf32>,
        %parallel_loop3A_358 = tpu.vector_load_idx %arg12[%parallel_loop3A_148, %parallel_loop3A_356] : memref<128x128xf32, #tpu.memory_space<vmem>>[vector<16xi32>, vector<16xi32>], vector<16xf32>,
        %parallel_loop3A_359 = arith.mulf %parallel_loop3A_357, %parallel_loop3A_358 : vector<16xf32>
        %parallel_loop3A_360 = arith.addf %parallel_loop3A_334, %parallel_loop3A_359 : vector<16xf32>
        %parallel_loop3A_361 = arith.constant 16 : i32
        %parallel_loop3A_362 = arith.muli %scan3A, %parallel_loop3A_361 : i32
        %parallel_loop3A_363 = arith.constant 15 : i32
        %parallel_loop3A_364 = arith.addi %parallel_loop3A_362, %parallel_loop3A_363 : i32
        %parallel_loop3A_365 = vector.broadcast %parallel_loop3A_364 : i32 to vector<16xi32>
        %parallel_loop3A_366 = arith.addi %iota3A, %parallel_loop3A_365 : vector<16xi32>
        %parallel_loop3A_367 = arith.constant 127 : i32
        %parallel_loop3A_368 = vector.broadcast %parallel_loop3A_367 : i32 to vector<16xi32>
        %parallel_loop3A_369 = arith.andi %parallel_loop3A_366, %parallel_loop3A_368 : vector<16xi32>
        %parallel_loop3A_370 = tpu.vector_load_idx %arg9[%parallel_loop3A_148, %parallel_loop3A_369] : memref<128x128xf32, #tpu.memory_space<vmem>>[vector<16xi32>, vector<16xi32>], vector<16xf32>,
        %parallel_loop3A_371 = tpu.vector_load_idx %arg12[%parallel_loop3A_148, %parallel_loop3A_369] : memref<128x128xf32, #tpu.memory_space<vmem>>[vector<16xi32>, vector<16xi32>], vector<16xf32>,
        %parallel_loop3A_372 = arith.mulf %parallel_loop3A_370, %parallel_loop3A_371 : vector<16xf32>
        %parallel_loop3A_373 = arith.addf %parallel_loop3A_347, %parallel_loop3A_372 : vector<16xf32>
        scf.yield %parallel_loop3A_360, %parallel_loop3A_373 : vector<16xf32>, vector<16xf32>
      }
      %parallel_loop3A_156 = arith.constant 8 : i32
      %parallel_loop3A_157 = arith.addf %parallel_loop3A_155#0, %parallel_loop3A_155#1 : vector<16xf32>
      %parallel_loop3A_158 = arith.constant 16 : i32
      %parallel_loop3A_159 = arith.muli %parallel_loop3A_144, %parallel_loop3A_158 : i32
      %parallel_loop3A_160 = arith.constant 384 : i32
      %parallel_loop3A_161 = arith.addi %parallel_loop3A_160, %parallel_loop3A_159 : i32
      %parallel_loop3A_162 = arith.index_cast %parallel_loop3A_161 : i32 to index
      %parallel_loop3A_163 = tpu.vector_load %arg15[%parallel_loop3A_162] {strides = array<i32>} : memref<512xf32, #tpu.memory_space<vmem>>, vector<16xf32>,
      tpu.vector_store %arg15[%parallel_loop3A_162], %parallel_loop3A_157 {strides = array<i32>} : memref<512xf32, #tpu.memory_space<vmem>>, vector<16xf32>,
    } {sc.loop_unroll_factor = 1 : i64, sc.parallel_access}
    %mul3A_142 = arith.constant 512 : i32
    %mul3A_143 = arith.muli %add3A, %mul3A_142 : i32
    "tpu.region"() ({
      %run_scoped3A = tpu.sem_alloc : memref<!tpu.dma_semaphore, #tpu.memory_space<semaphore_mem>>
      %dma_start3A_144 = tpu.memref_slice %arg6[%mul3A_143] : memref<16384xf32, #tpu.memory_space<hbm>> -> memref<512xf32, #tpu.memory_space<hbm>>
      %dma_start3A_145 = tpu.memref_slice %arg6[%mul3A_143] : memref<16384xf32, #tpu.memory_space<hbm>> -> memref<512xf32, #tpu.memory_space<hbm>>
      tpu.enqueue_dma source(%arg15 : memref<512xf32, #tpu.memory_space<vmem>>) target(%dma_start3A_145 : memref<512xf32, #tpu.memory_space<hbm>>) target_semaphore(%run_scoped3A : memref<!tpu.dma_semaphore, #tpu.memory_space<semaphore_mem>>)
      %dma_wait3A_146 = tpu.memref_slice %arg6[%mul3A_143] : memref<16384xf32, #tpu.memory_space<hbm>> -> memref<512xf32, #tpu.memory_space<hbm>>
      %dma_wait3A_147 = tpu.memref_slice %arg6[%mul3A_143] : memref<16384xf32, #tpu.memory_space<hbm>> -> memref<512xf32, #tpu.memory_space<hbm>>
      tpu.wait_dma2 semaphore(%run_scoped3A : memref<!tpu.dma_semaphore, #tpu.memory_space<semaphore_mem>>) src(%arg15 : memref<512xf32, #tpu.memory_space<vmem>>) dst(%dma_wait3A_147 : memref<512xf32, #tpu.memory_space<hbm>>)
      tpu.yield
    }) : () -> ()
    return
  }
}

</mosaic_0001>

<sc_bundles>
// kernel: kernel.3.cloned.1.call-start
scs
__scs_entry_jumppad:
0x0: {  	(pc) =	sbr.rel $0x88, $3  }
0x1: {  	(tag) =	ssettag $0x0;
	lr =	simm.s32 $0x1  }
0x2: {  	[smem:$0x3F9D] =	sst lr;
	_ =	strace $0xD0000000  }
0x3: {  	_ = 	snop  }
0x4: {  	_ = 	snop  }
0x5: {  	_ = 	snop  }
0x6: {  	_ = 	snop  }
0x7: {  	_ = 	snop  }
__scs_overlays_trampoline_lowered:
0x8: {  	[smem:$0x3FAC] =	sst s0  }
0x9: {  	[smem:$0x3FAD] =	sst s1  }
0xa: {  	[smem:$0x3FAE] =	sst s2  }
0xb: {  	[smem:$0x3FAF] =	sst s3  }
0xc: {  	[smem:$0x3FB0] =	sst s4  }
0xd: {  	[smem:$0x3FB1] =	sst s5  }
0xe: {  	[smem:$0x3FB2] =	sst s6  }
0xf: {  	[smem:$0x3FB3] =	sst s7  }
0x10: {  	[smem:$0x3FB4] =	sst s8  }
0x11: {  	[smem:$0x3FB5] =	sst s9;
	s0 =	simm.s32 @!p0 $0x0  }
0x12: {  	s1 =	sld [smem:$0x3F9B];
	s0 =	simm.s32 @p0 $0x1  }
0x13: {  	[smem:$0x3FB6] =	sst s0;
	s0 =	simm.s32 @!p1 $0x0  }
0x14: {  	s2 =	sld [smem:$0x3F9A];
	s0 =	simm.s32 @p1 $0x1  }
0x15: {  	[smem:$0x3FB7] =	sst s0;
	s0 =	simm.s32 @!p2 $0x0  }
0x16: {  	s3 =	sld [smem:$0x3FDB];
	s0 =	simm.s32 @p2 $0x1  }
0x17: {  	s4 =	simm.s32 $0x1BF5;
	[smem:$0x3FB9] =	sst s0  }
0x18: {  	s0 =	sld [smem:$0x3F9C];
	_ =	swait.ge [sflag:s4], $0x0  }
0x19: {  	s7 =	sld [smem:$0x3F9D]  }
0x1a: {  	s8 =	sadd.s32 $0xFFFFE003, lr  }
0x1b: {  	s9 =	sadd.s32 $0xFFFFFEF7, lr;
	s5 =	simm.s32 $0xFFFFFFFF;
	p2 =	slt.u32 s8, $0xFFFFF086  }
0x1c: {  	p1 =	slt.u32 s9, $0xF7A;
	s5 =	simm.s32 @!p2 $0x0  }
0x1d: {  	s5 =	simm.s32 @p1 $0x1;
	p0 =	seq.s32 s7, s2  }
0x1e: {  	s7 =	smul.u32 @!p0 $0xF7A, s2;
	p2 =	seq.s32 @!p0 s5, $0x0  }
0x1f: {  	s9 =	smul.u32 $0xF7A, s1;
	s8 =	simm.s32 @!p0 $0x1BF5;
	p2 =	por !p2, p0  }
0x20: {  	[sflag:s8] =	ssyncset.s32 @!p0 $0xFFFFF086;
	s6 =	sadd.s32 @!p0 s3, s7;
	s7 =	simm.s32 @!p0 $0x108  }
0x21: {  	s3 =	sadd.s32 s3, s9;
	s6 =	sadd.s32 @!p0 $0x88, s6;
	s7 =	simm.s32 @p2 $0x1082  }
0x22: {  	[simem:s7], [sflag:s8] =	dma.local @!p0 [hbm:s6], $0xF7A  }
0x23: {  	s9 =	sor.u32 $0xD0000000, s2;
	s6 =	simm.s32 $0x108;
	_ =	swait.ge @!p0 [sflag:s8], $0x0  }
0x24: {  	s3 =	sadd.s32 $0x88, s3;
	s6 =	simm.s32 @!p1 $0x1082;
	[sflag:s4] =	ssyncset.s32 $0xFFFFF086  }
0x25: {  	[simem:s6], [sflag:s4] =	dma.local [hbm:s3], $0xF7A  }
0x26: {  	[smem:$0x3F9D] =	sst s1;
	(tag) =	ssettag s2;
	_ =	strace s9  }
0x27: {  	s1 =	sld [smem:$0x3FAD]  }
0x28: {  	s2 =	sld [smem:$0x3FAE]  }
0x29: {  	s4 =	sld [smem:$0x3FB0]  }
0x2a: {  	p0 =	seq.s32 s5, $0x0;
	s5 =	sld [smem:$0x3FB1]  }
0x2b: {  	s6 =	sld [smem:$0x3FB2]  }
0x2c: {  	s7 =	sld [smem:$0x3FB3]  }
0x2d: {  	s3 =	simm.s32 $0x108;
	s8 =	sld [smem:$0x3FB4]  }
0x2e: {  	s3 =	simm.s32 @!p0 $0x1082;
	s9 =	sld [smem:$0x3FB5]  }
0x2f: {  	lr =	sadd.s32 s0, s3;
	s0 =	sld [smem:$0x3FAC]  }
0x30: {  	s3 =	sld [smem:$0x3FAF]  }
0x31: {  	[smem:$0x3FB8] =	sst s10  }
0x32: {  	s10 =	sld [smem:$0x3FB6];
	_ =	sdelay $0x3  }
0x33: {  	p0 =	seq.s32 s10, $0x1;
	s10 =	sld [smem:$0x3FB8];
	_ =	sdelay $0x3  }
0x34: {  	[smem:$0x3FB8] =	sst s10  }
0x35: {  	s10 =	sld [smem:$0x3FB7];
	_ =	sdelay $0x3  }
0x36: {  	p1 =	seq.s32 s10, $0x1;
	s10 =	sld [smem:$0x3FB8];
	_ =	sdelay $0x3  }
0x37: {  	[smem:$0x3FB8] =	sst s10  }
0x38: {  	s10 =	sld [smem:$0x3FB9]  }
0x39: {  	_ = 	snop;
	(pc) =	sbr.ind lr, $3  }
0x3a: {  	_ = 	snop  }
0x3b: {  	_ = 	snop  }
0x3c: {  	p2 =	seq.s32 s10, $0x1;
	s10 =	sld [smem:$0x3FB8]  }
0x3d: {  	_ =	shalt  }
0x3e: {  	_ =	shalt  }
0x3f: {  	_ =	shalt  }
0x40: {  	_ =	shalt  }
0x41: {  	_ =	shalt  }
0x42: {  	_ =	shalt  }
0x43: {  	_ =	shalt  }
0x44: {  	_ =	shalt  }
0x45: {  	_ =	shalt  }
0x46: {  	_ =	shalt  }
0x47: {  	_ =	shalt  }
0x48: {  	_ =	shalt  }
0x49: {  	_ =	shalt  }
0x4a: {  	_ =	shalt  }
0x4b: {  	_ =	shalt  }
0x4c: {  	_ =	shalt  }
0x4d: {  	_ =	shalt  }
0x4e: {  	_ =	shalt  }
0x4f: {  	_ =	shalt  }
0x50: {  	_ =	shalt  }
0x51: {  	_ =	shalt  }
0x52: {  	_ =	shalt  }
0x53: {  	_ =	shalt  }
0x54: {  	_ =	shalt  }
0x55: {  	_ =	shalt  }
0x56: {  	_ =	shalt  }
0x57: {  	_ =	shalt  }
0x58: {  	_ =	shalt  }
0x59: {  	_ =	shalt  }
0x5a: {  	_ =	shalt  }
0x5b: {  	_ =	shalt  }
0x5c: {  	_ =	shalt  }
0x5d: {  	_ =	shalt  }
0x5e: {  	_ =	shalt  }
0x5f: {  	_ =	shalt  }
0x60: {  	_ =	shalt  }
0x61: {  	_ =	shalt  }
0x62: {  	_ =	shalt  }
0x63: {  	_ =	shalt  }
0x64: {  	_ =	shalt  }
0x65: {  	_ =	shalt  }
0x66: {  	_ =	shalt  }
0x67: {  	_ =	shalt  }
0x68: {  	_ =	shalt  }
0x69: {  	_ =	shalt  }
0x6a: {  	_ =	shalt  }
0x6b: {  	_ =	shalt  }
0x6c: {  	_ =	shalt  }
0x6d: {  	_ =	shalt  }
0x6e: {  	_ =	shalt  }
0x6f: {  	_ =	shalt  }
0x70: {  	_ =	shalt  }
0x71: {  	_ =	shalt  }
0x72: {  	_ =	shalt  }
0x73: {  	_ =	shalt  }
0x74: {  	_ =	shalt  }
0x75: {  	_ =	shalt  }
0x76: {  	_ =	shalt  }
0x77: {  	_ =	shalt  }
0x78: {  	_ =	shalt  }
0x79: {  	_ =	shalt  }
0x7a: {  	_ =	shalt  }
0x7b: {  	_ =	shalt  }
0x7c: {  	_ =	shalt  }
0x7d: {  	_ =	shalt  }
0x7e: {  	_ =	shalt  }
0x7f: {  	_ =	shalt  }
0x80: {  	_ =	shalt  }
0x81: {  	_ =	shalt  }
0x82: {  	_ =	shalt  }
0x83: {  	_ =	shalt  }
0x84: {  	_ =	shalt  }
0x85: {  	_ =	shalt  }
0x86: {  	_ =	shalt  }
0x87: {  	_ =	shalt  }
.Lfunc_end0:
.L_simem_size_0:
called_computation_lowered:
.L_overlay_start_0:
0x88: {  	s2 =	sld [smem:$0x3FD9]  }
0x89: {  	s3 =	sld [smem:$0x3FFE];
	_ =	sdelay $0x1  }
0x8a: {  	s1 =	srdreg.scid  }
0x8b: {  	s0 =	sand.u32 $0x1, s1  }
0x8c: {  	s18 =	sshll.u32 s0, $0xA;
	s2 =	sadd.s32 s3, s2  }
0x8d: {  	s2 =	sadd.s32 s2, s18  }
0x8e: {  	[smem:$0x3FC4] =	sst s2  }
0x8f: {  	_ = 	snop  }
0x90: {  	s2 =	sld [smem:$0x3FC9]  }
0x91: {  	s19 =	sld [smem:$0x3FC8]  }
0x92: {  	s4 =	sld [smem:$0x3FC7]  }
0x93: {  	s5 =	sld [smem:$0x3FC6]  }
0x94: {  	s6 =	sld [smem:$0x3FD0];
	(tm) =	ssettm $0x1  }
0x95: {  	s7 =	sld [smem:$0x3FFB];
	_ =	sdelay $0x3  }
0x96: {  	_ =	strace s7  }
0x97: {  	s7 =	sld [smem:$0x3FFC];
	_ =	sdelay $0x3  }
0x98: {  	_ =	strace s7  }
0x99: {  	s7 =	sld [smem:$0x3FFD];
	_ =	sdelay $0x3  }
0x9a: {  	_ =	strace s7  }
0x9b: {  	_ =	strace $0x8FFFFFFF  }
0x9c: {  	s20 =	sld [smem:$0x3FDB];
	_ =	sdelay $0x1  }
0x9d: {  	s8 =	simm.s32 $_scs_section_size  }
0x9e: {  	s9 =	simm.s32 $_size__tile_overlayer_lowered;
	s10 =	simm.s32 $_tile_overlayer_lowered  }
0x9f: {  	s23 =	simm.s32 $0x1BFF;
	s22 =	sshll.u32 s10, $0x1;
	s7 =	sadd.s32 s8, s20  }
0xa0: {  	s11 =	simm.s32 $0x0;
	s21 =	sshll.u32 s9, $0x1;
	s9 =	sadd.s32 s22, s7  }
0xa1: {  	[timem:s11], [sflag:s23] =	dma.local [hbm:s9], s21  }
0xa2: {  	_ =	swait.ge [sflag:s23], s21  }
0xa3: {  	s8 =	ssub.s32 $0x0, s21;
	[sflag:s23] =	ssyncset.done $0x0  }
0xa4: {  	[sflag:s23] =	ssyncadd.s32 s8;
	_ =	sdelay $0x1  }
0xa5: {  	s24 =	simm.s32 $0x1B8B  }
0xa6: {  	_ =	swait.ge [sflag:s24], $0x1  }
0xa7: {  	[sflag:s24] =	ssyncset.done $0x0  }
0xa8: {  	s25 =	simm.s32 $0x1B8E;
	[sflag:s24] =	ssyncadd.s32 $0xFFFFFFFF  }
0xa9: {  	s26 =	simm.s32 $execute0_lowered;
	[smem:$0x3FD2] =	sst s25  }
0xaa: {  	s8 =	sshll.u32 s26, $0x1;
	_ =	strace $0x80000046;
	[dreg:$0x1] =	wrdreg $0xFFFFFFFF  }
0xab: {  	s28 =	simm.s32 $_size_execute0_lowered;
	s7 =	sadd.s32 s7, s8;
	[dreg:$0x0] =	wrdreg $0x0  }
0xac: {  	s8 =	sshll.u32 s28, $0x1;
	[dreg:$0x2] =	wrdreg s7  }
0xad: {  	[dreg:$0x3] =	wrdreg s8  }
0xae: {  	[dreg:$0x4] =	wrdreg $0xC0  }
0xaf: {  	_ =	task [dreg:s11], $0x5FFFF  }
0xb0: {  	[dreg:$0x1] =	wrdreg $0xFFFFFFFF  }
0xb1: {  	[dreg:$0x0] =	wrdreg $0x60  }
0xb2: {  	[dreg:$0x2] =	wrdreg s2  }
0xb3: {  	[dreg:$0x3] =	wrdreg s19  }
0xb4: {  	[dreg:$0x4] =	wrdreg s4  }
0xb5: {  	[dreg:$0x5] =	wrdreg s5  }
0xb6: {  	[dreg:$0x6] =	wrdreg s6  }
0xb7: {  	[dreg:$0x7] =	wrdreg $0x9  }
0xb8: {  	_ =	task.clear_ibuf [dreg:s11], $0x8FFFF;
	_ =	strace $0x90000046  }
0xb9: {  	s29 =	simm.s32 $0x9;
	_ =	strace $0x80000048  }
0xba: {  	_ =	swait.ge [sflag:s29], $0x1  }
0xbb: {  	[sflag:s29] =	ssyncadd.s32 $0xFFFFFFFF  }
0xbc: {  	_ =	strace $0x90000048  }
0xbd: {  	_ =	sfence  }
0xbe: {  	s30 =	sld [smem:$0x0];
	_ =	sdelay $0x2  }
0xbf: {  	s31 =	sshll.u32 s1, $0xD;
	s1 =	sshrl.u32 s1, $0x2  }
0xc0: {  	s3 =	sand.u32 $0x4000, s31;
	s1 =	sadd.s32 s1, s30  }
0xc1: {  	s0 =	sor.u32 s3, s0;
	s1 =	sshll.u32 s1, $0x11  }
0xc2: {  	s0 =	sor.u32 s1, s0  }
0xc3: {  	s0 =	sadd.s32 $0x8F2B, s0  }
0xc4: {  	[sflag:s0] =	ssyncadd.remote.s32 $0x1  }
0xc5: {  	_ =	sfence.sel $0xFFFF  }
0xc6: {  	[dreg:$0x0] =	wrdreg $0xFFFFFFFF;
	(pc) =	sbr.abs _section_cstart, $3  }
0xc7: {  	[dreg:$0x1] =	wrdreg $0xFFFFFFFF  }
0xc8: {  	_ =	task.clear_ibuf [dreg:s11], $0x2FFFF;
	_ =	strace $0x9FFFFFFF  }
0xc9: {  	(tm) =	ssettm $0x7FFFFFFF  }
tec
execute0_lowered:
.L_overlay_start_1:
0x0: {  	(tag) =	ssettag $0x1  }
0x1: {  	s0 =	rddreg [dreg:$0x0]  }
0x2: {  	s3 =	rddreg [dreg:$0x1]  }
0x3: {  	s1 =	rddreg [dreg:$0x2]  }
0x4: {  	s2 =	rddreg [dreg:$0x3]  }
0x5: {  	s7 =	rddreg [dreg:$0x4]  }
0x6: {  	s5 =	srdreg.scid;
	s4 =	simm.s32 $0x0;
	s9 =	stileid.u32  }
0x7: {  	s11 =	simm.s32 $0x4;
	s12 =	simm.s32 $0x80;
	s13 =	simm.s32 $0x400  }
0x8: {  	s14 =	simm.s32 $0xC400;
	s15 =	simm.s32 $0x4400;
	s17 =	simm.s32 $0x10400  }
0x9: {  	s19 =	simm.s32 $0x8400;
	s21 =	simm.s32 $0x14400;
	s24 =	simm.s32 $0x2  }
0xa: {  	s25 =	simm.s32 $0x5;
	s28 =	simm.s32 $0x6;
	s30 =	simm.s32 $0x7  }
0xb: {  	s31 =	simm.s32 $0x0;
	s5 =	sand.u32 $0x1, s5;
	[smem:$0x7FF] =	sst s4  }
0xc: {  	s9 =	sshll.u32 s9, $0x7;
	s6 =	ssub.s32 $0x2, s5;
	s10 =	sshll.u32 s5, $0x6  }
0xd: {  	_ =	strace $0x80000047;
	s8 =	sshrl.u32 s6, $0x1;
	s26 =	sor.u32 s10, s9  }
0xe: {  	s29 =	sadd.s32 s7, s10;
	s10 =	simm.s32 $0x1;
	s8 =	ssub.s32 s6, s8  }
0xf: {  	v0 =	vlaneseq.u32;
	s5 =	sadd.s32 s0, s26;
	s6 =	sadd.s32 s3, s26;
	s7 =	sadd.s32 s9, s29  }
0x10: {  	v1 =	vmul.u32 $0x80, v0;
	s9 =	simm.s32 $0x200;
	s26 =	simm.s32 $0x3;
	s8 =	smax.u32 s8, $0x1  }
.LBB2_1:
0x11: {  	[tilespmem:s4], [sflag:$0x1] =	stream.linear.gather [hbm4b:s5+s4], $0x200, $0x38;
	[tilespmem:$0x18600] =	vst v63  }
0x12: {  	_ = 	snop  }
0x13: {  	[tilespmem:s9], [sflag:$0x4] =	stream.linear.gather [hbm4b:s6+s4], $0x200, $0x38;
	[tilespmem:$0x18600] =	vst v63  }
0x14: {  	_ =	swait.ge [sflag:s10], $0x200  }
0x15: {  	[sflag:s10] =	ssyncset.done $0x0  }
0x16: {  	[sflag:s10] =	ssyncadd.s32 $0xFFFFFE00  }
0x17: {  	_ =	swait.ge [sflag:s11], $0x200  }
0x18: {  	[sflag:s11] =	ssyncset.done $0x0  }
0x19: {  	[sflag:s11] =	ssyncadd.s32 $0xFFFFFE00  }
0x1a: {  	[tilespmem:s13], [sflag:$0x1] =	stream.indirect.gather [hbm4b:s1+s12], $0x80, s4, s12, $0xb8;
	[tilespmem:$0x18600] =	vst v63  }
0x1b: {  	_ = 	snop  }
0x1c: {  	[tilespmem:s14], [sflag:$0x4] =	stream.indirect.gather [hbm4b:s2+s12], $0x80, s9, s12, $0xb8;
	[tilespmem:$0x18600] =	vst v63  }
0x1d: {  	_ = 	snop  }
0x1e: {  	[tilespmem:s15], [sflag:$0x2] =	stream.indirect.gather [hbm4b:s1+s12], $0x80, s12, s12, $0xb8;
	[tilespmem:$0x18600] =	vst v63  }
0x1f: {  	s0 =	simm.s32 $0x280  }
0x20: {  	[tilespmem:s17], [sflag:$0x5] =	stream.indirect.gather [hbm4b:s2+s12], $0x80, s0, s12, $0xb8;
	[tilespmem:$0x18600] =	vst v63  }
0x21: {  	s23 =	simm.s32 $0x100  }
0x22: {  	[tilespmem:s19], [sflag:$0x3] =	stream.indirect.gather [hbm4b:s1+s12], $0x80, s23, s12, $0xb8;
	[tilespmem:$0x18600] =	vst v63  }
0x23: {  	s29 =	simm.s32 $0x300  }
0x24: {  	[tilespmem:s21], [sflag:$0x6] =	stream.indirect.gather [hbm4b:s2+s12], $0x80, s29, s12, $0xb8;
	[tilespmem:$0x18600] =	vst v63  }
0x25: {  	_ =	swait.ge [sflag:s10], $0x4000  }
0x26: {  	[sflag:s10] =	ssyncset.done $0x0  }
0x27: {  	[sflag:s10] =	ssyncadd.s32 $0xFFFFC000  }
0x28: {  	_ =	swait.ge [sflag:s11], $0x4000  }
0x29: {  	[sflag:s11] =	ssyncset.done $0x0  }
0x2a: {  	s0 =	simm.s32 $0x0;
	[sflag:s11] =	ssyncadd.s32 $0xFFFFC000  }
.LBB2_2:
0x2b: {  	s3 =	sshll.u32 s0, $0x4  }
0x2c: {  	s16 =	simm.s32 $0xE;
	v2 =	vmov s3  }
0x2d: {  	s29 =	simm.s32 $0xA;
	v3 =	vadd.s32 s16, v0;
	v2 =	vshll.u32 v2, $0x7  }
0x2e: {  	v6 =	vadd.s32 s29, v0;
	v3 =	vand.u32 $0x7F, v3;
	v2 =	vor.u32 v1, v2  }
0x2f: {  	v6 =	vand.u32 $0x7F, v6;
	v3 =	vor.u32 v2, v3  }
0x30: {  	s18 =	simm.s32 $0x0;
	v9 =	vor.u32 v0, v2;
	v8 =	vor.u32 v2, v6  }
0x31: {  	v4 =	vor.u32 s18, v9;
	s18 =	simm.s32 $0x8  }
0x32: {  	s23 =	simm.s32 $0xC;
	v7 =	vadd.s32 s18, v0  }
0x33: {  	v5 =	vadd.s32 s23, v0;
	v6 =	vand.u32 $0x7F, v7  }
0x34: {  	v5 =	vand.u32 $0x7F, v5;
	v12 =	vor.u32 v2, v6;
	v6 =	vld.idx.msk [tilespmem:v3+s14+$0x0], $0xffff  }
0x35: {  	v5 =	vor.u32 v2, v5;
	v7 =	vld.idx.msk [tilespmem:v8+s13+$0x0], $0xffff  }
0x36: {  	s20 =	simm.s32 $0x6;
	v8 =	vld.idx.msk [tilespmem:v8+s14+$0x0], $0xffff  }
0x37: {  	v10 =	vadd.s32 s20, v0;
	v11 =	vld.idx.msk [tilespmem:v4+s13+$0x0], $0xffff  }
0x38: {  	s22 =	simm.s32 $0x4;
	v10 =	vand.u32 $0x7F, v10;
	v13 =	vld.idx.msk [tilespmem:v4+s14+$0x0], $0xffff  }
0x39: {  	v15 =	vadd.s32 s22, v0;
	v16 =	vor.u32 v2, v10;
	v4 =	vld.idx.msk [tilespmem:v3+s13+$0x0], $0xffff  }
0x3a: {  	s23 =	simm.s32 $0x2;
	v15 =	vand.u32 $0x7F, v15;
	v3 =	vld.idx.msk [tilespmem:v5+s13+$0x0], $0xffff  }
0x3b: {  	v18 =	vadd.s32 s23, v0;
	v17 =	vor.u32 v2, v15;
	v5 =	vld.idx.msk [tilespmem:v5+s14+$0x0], $0xffff  }
0x3c: {  	v14 =	vimm.f32 $0.0e+00;
	s29 =	simm.s32 $0x1;
	v15 =	vand.u32 $0x7F, v18;
	v10 =	vld.idx.msk [tilespmem:v12+s13+$0x0], $0xffff  }
0x3d: {  	s16 =	simm.s32 $0xF;
	v19 =	vadd.s32 s29, v0;
	v18 =	vor.u32 v2, v15;
	v15 =	vimm.f32 $0.0e+00;
	s18 =	simm.s32 $0x1F;
	v12 =	vld.idx.msk [tilespmem:v12+s14+$0x0], $0xffff  }
.LBB2_3:
0x3e: {  	p0 =	sne.s32 s18, $0x7F;
	v19 =	vand.u32 $0x7F, v19;
	s20 =	sadd.s32 $0xFFFFFFF4, s16;
	v20 =	vld.idx.msk [tilespmem:v16+s13+$0x0], $0xffff  }
0x3f: {  	v19 =	vor.u32 v2, v19;
	v21 =	vadd.s32 s20, v0;
	v16 =	vld.idx.msk [tilespmem:v16+s14+$0x0], $0xffff  }
0x40: {  	s20 =	sadd.s32 $0xFFFFFFF6, s16;
	v21 =	vand.u32 $0x7F, v21;
	v22 =	vld.idx.msk [tilespmem:v17+s13+$0x0], $0xffff  }
0x41: {  	v23 =	vadd.s32 s20, v0;
	v21 =	vor.u32 v2, v21;
	v17 =	vld.idx.msk [tilespmem:v17+s14+$0x0], $0xffff  }
0x42: {  	s20 =	sadd.s32 $0xFFFFFFF8, s16;
	v23 =	vand.u32 $0x7F, v23;
	v24 =	vld.idx.msk [tilespmem:v18+s13+$0x0], $0xffff  }
0x43: {  	v25 =	vadd.s32 s20, v0;
	v23 =	vor.u32 v2, v23;
	v18 =	vld.idx.msk [tilespmem:v18+s14+$0x0], $0xffff  }
0x44: {  	s20 =	sadd.s32 $0xFFFFFFFA, s16;
	v25 =	vand.u32 $0x7F, v25;
	v26 =	vld.idx.msk [tilespmem:v19+s13+$0x0], $0xffff  }
0x45: {  	v27 =	vadd.s32 s20, v0;
	v25 =	vor.u32 v2, v25;
	v19 =	vld.idx.msk [tilespmem:v19+s14+$0x0], $0xffff  }
0x46: {  	s22 =	sadd.s32 $0xFFFFFFFC, s16;
	s20 =	sadd.s32 $0xFFFFFFFF, s18;
	v27 =	vand.u32 $0x7F, v27;
	v28 =	vld.idx.msk [tilespmem:v21+s13+$0x0], $0xffff  }
0x47: {  	s23 =	sadd.s32 $0xFFFFFFFB, s18;
	s29 =	sadd.s32 $0xFFFFFFFD, s18;
	v30 =	vadd.s32 s22, v0;
	v29 =	vadd.s32 s20, v0;
	v27 =	vor.u32 v2, v27;
	v21 =	vld.idx.msk [tilespmem:v21+s14+$0x0], $0xffff  }
0x48: {  	v31 =	vadd.s32 s23, v0;
	v32 =	vadd.s32 s29, v0;
	s22 =	sadd.s32 $0xFFFFFFFE, s16;
	v30 =	vand.u32 $0x7F, v30;
	s20 =	sadd.s32 $0xFFFFFFF9, s18;
	v33 =	vld.idx.msk [tilespmem:v23+s13+$0x0], $0xffff  }
0x49: {  	v35 =	vadd.s32 s22, v0;
	v30 =	vor.u32 v2, v30;
	v34 =	vadd.s32 s20, v0;
	v23 =	vld.idx.msk [tilespmem:v23+s14+$0x0], $0xffff  }
0x4a: {  	v11 =	vmul.f32 v13, v11;
	v36 =	vadd.s32 s16, v0;
	v35 =	vand.u32 $0x7F, v35;
	s16 =	smov.u32 s18;
	v13 =	vld.idx.msk [tilespmem:v25+s13+$0x0], $0xffff  }
0x4b: {  	s20 =	sadd.s32 $0xFFFFFFF7, s18;
	v19 =	vmul.f32 v19, v26;
	v26 =	vor.u32 v2, v35;
	v35 =	vand.u32 $0x7F, v36;
	v25 =	vld.idx.msk [tilespmem:v25+s14+$0x0], $0xffff  }
0x4c: {  	v18 =	vmul.f32 v18, v24;
	v36 =	vadd.s32 s20, v0;
	v35 =	vor.u32 v2, v35;
	v24 =	vld.idx.msk [tilespmem:v27+s13+$0x0], $0xffff  }
0x4d: {  	v11 =	vadd.f32 v11, v14;
	s20 =	sadd.s32 $0xFFFFFFF1, s18;
	v14 =	vadd.f32 v19, v15;
	v15 =	vmul.f32 v21, v28;
	v19 =	vld.idx.msk [tilespmem:v27+s14+$0x0], $0xffff  }
0x4e: {  	v17 =	vmul.f32 v17, v22;
	v21 =	vor.u32 s20, v9;
	v27 =	vand.u32 $0x7F, v29;
	v22 =	vld.idx.msk [tilespmem:v30+s13+$0x0], $0xffff  }
0x4f: {  	v11 =	vadd.f32 v18, v11;
	v14 =	vadd.f32 v15, v14;
	v15 =	vmul.f32 v23, v33;
	v18 =	vld.idx.msk [tilespmem:v30+s14+$0x0], $0xffff  }
0x50: {  	v16 =	vmul.f32 v16, v20;
	v23 =	vand.u32 $0x7F, v32;
	v27 =	vor.u32 v2, v27;
	v20 =	vld.idx.msk [tilespmem:v26+s13+$0x0], $0xffff  }
0x51: {  	v11 =	vadd.f32 v17, v11;
	v14 =	vadd.f32 v15, v14;
	v13 =	vmul.f32 v25, v13;
	v15 =	vld.idx.msk [tilespmem:v26+s14+$0x0], $0xffff  }
0x52: {  	v10 =	vmul.f32 v12, v10;
	v17 =	vand.u32 $0x7F, v31;
	v23 =	vor.u32 v2, v23;
	v12 =	vld.idx.msk [tilespmem:v35+s13+$0x0], $0xffff  }
0x53: {  	v16 =	vadd.f32 v16, v11;
	v14 =	vadd.f32 v13, v14;
	v19 =	vmul.f32 v19, v24;
	v24 =	vld.idx.msk [tilespmem:v35+s14+$0x0], $0xffff  }
0x54: {  	v7 =	vmul.f32 v8, v7;
	v25 =	vand.u32 $0x7F, v34;
	v26 =	vor.u32 v2, v17;
	v11 =	vld.idx.msk [tilespmem:v21+s13+$0x0], $0xffff  }
0x55: {  	v8 =	vadd.f32 v10, v16;
	v10 =	vadd.f32 v19, v14;
	v14 =	vmul.f32 v18, v22;
	v13 =	vld.idx.msk [tilespmem:v21+s14+$0x0], $0xffff  }
0x56: {  	v16 =	vand.u32 $0x7F, v36;
	v17 =	vmul.f32 v5, v3;
	v21 =	vor.u32 v2, v25;
	v18 =	vld.idx.msk [tilespmem:v27+s13+$0x0], $0xffff  }
0x57: {  	s20 =	sadd.s32 $0xFFFFFFF5, s18;
	v7 =	vadd.f32 v7, v8;
	v8 =	vadd.f32 v14, v10;
	v10 =	vmul.f32 v15, v20;
	v22 =	vld.idx.msk [tilespmem:v27+s14+$0x0], $0xffff  }
0x58: {  	v4 =	vmul.f32 v6, v4;
	v16 =	vor.u32 v2, v16;
	v14 =	vadd.s32 s20, v0;
	v3 =	vld.idx.msk [tilespmem:v23+s13+$0x0], $0xffff  }
.Ltmp0:
0x59: {  	v6 =	vadd.f32 v17, v7;
	s20 =	sadd.s32 $0xFFFFFFF3, s18;
	v10 =	vadd.f32 v10, v8;
	v12 =	vmul.f32 v24, v12;
	v5 =	vld.idx.msk [tilespmem:v23+s14+$0x0], $0xffff;
	(pc) =	sbr.rel @p0 .LBB2_3-.Ltmp0, $4  }
0x5a: {  	v19 =	vadd.s32 s20, v0;
	v8 =	vand.u32 $0x7F, v14;
	v7 =	vld.idx.msk [tilespmem:v26+s13+$0x0], $0xffff  }
0x5b: {  	v14 =	vadd.f32 v4, v6;
	v17 =	vor.u32 v2, v8;
	v15 =	vadd.f32 v12, v10;
	v8 =	vld.idx.msk [tilespmem:v26+s14+$0x0], $0xffff  }
0x5c: {  	s20 =	sadd.s32 $0xFFFFFFF2, s18;
	v20 =	vand.u32 $0x7F, v19;
	v4 =	vmov v18;
	v10 =	vld.idx.msk [tilespmem:v21+s13+$0x0], $0xffff  }
0x5d: {  	s18 =	sadd.s32 $0x10, s18;
	v19 =	vadd.s32 s20, v0;
	v18 =	vor.u32 v2, v20;
	v6 =	vmov v22;
	v12 =	vld.idx.msk [tilespmem:v21+s14+$0x0], $0xffff  }
0x5e: {  	_ =	sdelay $0x3  }
0x5f: {  	v9 =	vand.u32 $0x7F, v19;
	s18 =	sadd.s32 $0xFFFFFFF4, s16;
	v41 =	vld.idx.msk [tilespmem:v16+s13+$0x0], $0xffff  }
0x60: {  	v42 =	vld.idx.msk [tilespmem:v16+s14+$0x0], $0xffff;
	v9 =	vor.u32 v2, v9;
	v20 =	vadd.s32 s18, v0  }
0x61: {  	v21 =	vld.idx.msk [tilespmem:v17+s13+$0x0], $0xffff;
	s29 =	sadd.s32 $0xFFFFFFF6, s16;
	v20 =	vand.u32 $0x7F, v20  }
0x62: {  	v43 =	vld.idx.msk [tilespmem:v17+s14+$0x0], $0xffff;
	v22 =	vadd.s32 s29, v0;
	v20 =	vor.u32 v2, v20  }
0x63: {  	v23 =	vld.idx.msk [tilespmem:v18+s13+$0x0], $0xffff;
	s20 =	sadd.s32 $0xFFFFFFF8, s16;
	v22 =	vand.u32 $0x7F, v22  }
0x64: {  	v44 =	vld.idx.msk [tilespmem:v18+s14+$0x0], $0xffff;
	v24 =	vadd.s32 s20, v0;
	v22 =	vor.u32 v2, v22  }
0x65: {  	s22 =	sadd.s32 $0xFFFFFFFA, s16;
	v24 =	vand.u32 $0x7F, v24;
	v25 =	vld.idx.msk [tilespmem:v9+s13+$0x0], $0xffff  }
0x66: {  	v26 =	vadd.s32 s22, v0;
	v24 =	vor.u32 v2, v24;
	v9 =	vld.idx.msk [tilespmem:v9+s14+$0x0], $0xffff  }
0x67: {  	s23 =	sadd.s32 $0xFFFFFFFC, s16;
	v26 =	vand.u32 $0x7F, v26;
	v27 =	vld.idx.msk [tilespmem:v20+s13+$0x0], $0xffff  }
0x68: {  	v28 =	vadd.s32 s23, v0;
	v26 =	vor.u32 v2, v26;
	v20 =	vld.idx.msk [tilespmem:v20+s14+$0x0], $0xffff  }
0x69: {  	s29 =	sadd.s32 $0xFFFFFFFE, s16;
	v28 =	vand.u32 $0x7F, v28;
	v29 =	vld.idx.msk [tilespmem:v22+s13+$0x0], $0xffff  }
0x6a: {  	v11 =	vmul.f32 v13, v11;
	v30 =	vadd.s32 s29, v0;
	v28 =	vor.u32 v2, v28;
	v22 =	vld.idx.msk [tilespmem:v22+s14+$0x0], $0xffff  }
0x6b: {  	v31 =	vadd.s32 s16, v0;
	v30 =	vand.u32 $0x7F, v30;
	v45 =	vld.idx.msk [tilespmem:v24+s13+$0x0], $0xffff;
	v9 =	vmul.f32 v9, v25  }
0x6c: {  	v47 =	vand.u32 $0x7F, v31;
	v11 =	vadd.f32 v11, v14;
	v46 =	vor.u32 v2, v30;
	v24 =	vld.idx.msk [tilespmem:v24+s14+$0x0], $0xffff  }
0x6d: {  	v18 =	vmul.f32 v44, v23;
	v48 =	vld.idx.msk [tilespmem:v26+s13+$0x0], $0xffff;
	v9 =	vadd.f32 v9, v15;
	v49 =	vmul.f32 v20, v27  }
0x6e: {  	v2 =	vor.u32 v2, v47;
	v17 =	vmul.f32 v43, v21;
	v50 =	vld.idx.msk [tilespmem:v26+s14+$0x0], $0xffff  }
0x6f: {  	v11 =	vadd.f32 v18, v11;
	v51 =	vld.idx.msk [tilespmem:v28+s13+$0x0], $0xffff;
	v52 =	vmul.f32 v22, v29;
	v9 =	vadd.f32 v49, v9  }
0x70: {  	v16 =	vmul.f32 v42, v41;
	v53 =	vld.idx.msk [tilespmem:v28+s14+$0x0], $0xffff  }
0x71: {  	v54 =	vld.idx.msk [tilespmem:v46+s13+$0x0], $0xffff;
	v11 =	vadd.f32 v17, v11;
	v13 =	vmul.f32 v24, v45;
	v9 =	vadd.f32 v52, v9  }
0x72: {  	v10 =	vmul.f32 v12, v10;
	v55 =	vld.idx.msk [tilespmem:v46+s14+$0x0], $0xffff  }
0x73: {  	v56 =	vld.idx.msk [tilespmem:v2+s13+$0x0], $0xffff;
	v11 =	vadd.f32 v16, v11;
	v57 =	vmul.f32 v50, v48;
	v9 =	vadd.f32 v13, v9  }
0x74: {  	v7 =	vmul.f32 v8, v7;
	v2 =	vld.idx.msk [tilespmem:v2+s14+$0x0], $0xffff  }
0x75: {  	v58 =	vadd.f32 v10, v11;
	v59 =	vmul.f32 v53, v51;
	v9 =	vadd.f32 v57, v9  }
0x76: {  	v3 =	vmul.f32 v5, v3  }
0x77: {  	v62 =	vmul.f32 v55, v54;
	v60 =	vadd.f32 v7, v58;
	v61 =	vadd.f32 v59, v9  }
0x78: {  	v4 =	vmul.f32 v6, v4  }
0x79: {  	s0 =	sadd.s32 $0x1, s0;
	v2 =	vmul.f32 v2, v56;
	v3 =	vadd.f32 v3, v60;
	v63 =	vadd.f32 v62, v61  }
0x7a: {  	p0 =	sne.s32 s0, $0x8  }
.Ltmp1:
0x7b: {  	v3 =	vadd.f32 v4, v3;
	v2 =	vadd.f32 v2, v63;
	(pc) =	sbr.rel @p0 .LBB2_2-.Ltmp1, $3  }
0x7c: {  	_ = 	snop  }
0x7d: {  	v2 =	vadd.f32 v2, v3;
	_ =	sdelay $0x1  }
0x7e: {  	[tilespmem:s3+$0x18400] =	vst v2  }
0x7f: {  	s0 =	simm.s32 $0x180  }
0x80: {  	[tilespmem:s13], [sflag:$0x1] =	stream.indirect.gather [hbm4b:s1+s12], $0x80, s0, s12, $0xb8;
	[tilespmem:$0x18600] =	vst v63  }
0x81: {  	s29 =	simm.s32 $0x380  }
0x82: {  	[tilespmem:s14], [sflag:$0x4] =	stream.indirect.gather [hbm4b:s2+s12], $0x80, s29, s12, $0xb8;
	[tilespmem:$0x18600] =	vst v63  }
0x83: {  	_ =	swait.ge [sflag:s24], $0x4000  }
0x84: {  	[sflag:s24] =	ssyncset.done $0x0  }
0x85: {  	[sflag:s24] =	ssyncadd.s32 $0xFFFFC000  }
0x86: {  	_ =	swait.ge [sflag:s25], $0x4000  }
0x87: {  	[sflag:s25] =	ssyncset.done $0x0  }
0x88: {  	s0 =	simm.s32 $0x0;
	[sflag:s25] =	ssyncadd.s32 $0xFFFFC000  }
.LBB2_6:
0x89: {  	s3 =	sshll.u32 s0, $0x4  }
0x8a: {  	s16 =	simm.s32 $0xE;
	v2 =	vmov s3  }
0x8b: {  	s29 =	simm.s32 $0xA;
	v3 =	vadd.s32 s16, v0;
	v2 =	vshll.u32 v2, $0x7  }
0x8c: {  	v6 =	vadd.s32 s29, v0;
	v3 =	vand.u32 $0x7F, v3;
	v2 =	vor.u32 v1, v2  }
0x8d: {  	v6 =	vand.u32 $0x7F, v6;
	v3 =	vor.u32 v2, v3  }
0x8e: {  	s18 =	simm.s32 $0x0;
	v9 =	vor.u32 v0, v2;
	v8 =	vor.u32 v2, v6  }
0x8f: {  	v4 =	vor.u32 s18, v9;
	s18 =	simm.s32 $0x8  }
0x90: {  	s23 =	simm.s32 $0xC;
	v7 =	vadd.s32 s18, v0  }
0x91: {  	v5 =	vadd.s32 s23, v0;
	v6 =	vand.u32 $0x7F, v7  }
0x92: {  	v5 =	vand.u32 $0x7F, v5;
	v12 =	vor.u32 v2, v6;
	v6 =	vld.idx.msk [tilespmem:v3+s17+$0x0], $0xffff  }
0x93: {  	v5 =	vor.u32 v2, v5;
	v7 =	vld.idx.msk [tilespmem:v8+s15+$0x0], $0xffff  }
0x94: {  	s20 =	simm.s32 $0x6;
	v8 =	vld.idx.msk [tilespmem:v8+s17+$0x0], $0xffff  }
0x95: {  	v10 =	vadd.s32 s20, v0;
	v11 =	vld.idx.msk [tilespmem:v4+s15+$0x0], $0xffff  }
0x96: {  	s22 =	simm.s32 $0x4;
	v10 =	vand.u32 $0x7F, v10;
	v13 =	vld.idx.msk [tilespmem:v4+s17+$0x0], $0xffff  }
0x97: {  	v15 =	vadd.s32 s22, v0;
	v16 =	vor.u32 v2, v10;
	v4 =	vld.idx.msk [tilespmem:v3+s15+$0x0], $0xffff  }
0x98: {  	s23 =	simm.s32 $0x2;
	v15 =	vand.u32 $0x7F, v15;
	v3 =	vld.idx.msk [tilespmem:v5+s15+$0x0], $0xffff  }
0x99: {  	v18 =	vadd.s32 s23, v0;
	v17 =	vor.u32 v2, v15;
	v5 =	vld.idx.msk [tilespmem:v5+s17+$0x0], $0xffff  }
0x9a: {  	v14 =	vimm.f32 $0.0e+00;
	s29 =	simm.s32 $0x1;
	v15 =	vand.u32 $0x7F, v18;
	v10 =	vld.idx.msk [tilespmem:v12+s15+$0x0], $0xffff  }
0x9b: {  	s16 =	simm.s32 $0xF;
	v19 =	vadd.s32 s29, v0;
	v18 =	vor.u32 v2, v15;
	v15 =	vimm.f32 $0.0e+00;
	s18 =	simm.s32 $0x1F;
	v12 =	vld.idx.msk [tilespmem:v12+s17+$0x0], $0xffff  }
.LBB2_7:
0x9c: {  	p0 =	sne.s32 s18, $0x7F;
	v19 =	vand.u32 $0x7F, v19;
	s20 =	sadd.s32 $0xFFFFFFF4, s16;
	v20 =	vld.idx.msk [tilespmem:v16+s15+$0x0], $0xffff  }
0x9d: {  	v19 =	vor.u32 v2, v19;
	v21 =	vadd.s32 s20, v0;
	v16 =	vld.idx.msk [tilespmem:v16+s17+$0x0], $0xffff  }
0x9e: {  	s20 =	sadd.s32 $0xFFFFFFF6, s16;
	v21 =	vand.u32 $0x7F, v21;
	v22 =	vld.idx.msk [tilespmem:v17+s15+$0x0], $0xffff  }
0x9f: {  	v23 =	vadd.s32 s20, v0;
	v21 =	vor.u32 v2, v21;
	v17 =	vld.idx.msk [tilespmem:v17+s17+$0x0], $0xffff  }
0xa0: {  	s20 =	sadd.s32 $0xFFFFFFF8, s16;
	v23 =	vand.u32 $0x7F, v23;
	v24 =	vld.idx.msk [tilespmem:v18+s15+$0x0], $0xffff  }
0xa1: {  	v25 =	vadd.s32 s20, v0;
	v23 =	vor.u32 v2, v23;
	v18 =	vld.idx.msk [tilespmem:v18+s17+$0x0], $0xffff  }
0xa2: {  	s20 =	sadd.s32 $0xFFFFFFFA, s16;
	v25 =	vand.u32 $0x7F, v25;
	v26 =	vld.idx.msk [tilespmem:v19+s15+$0x0], $0xffff  }
0xa3: {  	v27 =	vadd.s32 s20, v0;
	v25 =	vor.u32 v2, v25;
	v19 =	vld.idx.msk [tilespmem:v19+s17+$0x0], $0xffff  }
0xa4: {  	s22 =	sadd.s32 $0xFFFFFFFC, s16;
	s20 =	sadd.s32 $0xFFFFFFFF, s18;
	v27 =	vand.u32 $0x7F, v27;
	v28 =	vld.idx.msk [tilespmem:v21+s15+$0x0], $0xffff  }
0xa5: {  	s23 =	sadd.s32 $0xFFFFFFFB, s18;
	s29 =	sadd.s32 $0xFFFFFFFD, s18;
	v30 =	vadd.s32 s22, v0;
	v29 =	vadd.s32 s20, v0;
	v27 =	vor.u32 v2, v27;
	v21 =	vld.idx.msk [tilespmem:v21+s17+$0x0], $0xffff  }
0xa6: {  	v31 =	vadd.s32 s23, v0;
	v32 =	vadd.s32 s29, v0;
	s22 =	sadd.s32 $0xFFFFFFFE, s16;
	v30 =	vand.u32 $0x7F, v30;
	s20 =	sadd.s32 $0xFFFFFFF9, s18;
	v33 =	vld.idx.msk [tilespmem:v23+s15+$0x0], $0xffff  }
0xa7: {  	v35 =	vadd.s32 s22, v0;
	v30 =	vor.u32 v2, v30;
	v34 =	vadd.s32 s20, v0;
	v23 =	vld.idx.msk [tilespmem:v23+s17+$0x0], $0xffff  }
0xa8: {  	v11 =	vmul.f32 v13, v11;
	v36 =	vadd.s32 s16, v0;
	v35 =	vand.u32 $0x7F, v35;
	s16 =	smov.u32 s18;
	v13 =	vld.idx.msk [tilespmem:v25+s15+$0x0], $0xffff  }
0xa9: {  	s20 =	sadd.s32 $0xFFFFFFF7, s18;
	v19 =	vmul.f32 v19, v26;
	v26 =	vor.u32 v2, v35;
	v35 =	vand.u32 $0x7F, v36;
	v25 =	vld.idx.msk [tilespmem:v25+s17+$0x0], $0xffff  }
0xaa: {  	v18 =	vmul.f32 v18, v24;
	v36 =	vadd.s32 s20, v0;
	v35 =	vor.u32 v2, v35;
	v24 =	vld.idx.msk [tilespmem:v27+s15+$0x0], $0xffff  }
0xab: {  	v11 =	vadd.f32 v11, v14;
	s20 =	sadd.s32 $0xFFFFFFF1, s18;
	v14 =	vadd.f32 v19, v15;
	v15 =	vmul.f32 v21, v28;
	v19 =	vld.idx.msk [tilespmem:v27+s17+$0x0], $0xffff  }
0xac: {  	v17 =	vmul.f32 v17, v22;
	v21 =	vor.u32 s20, v9;
	v27 =	vand.u32 $0x7F, v29;
	v22 =	vld.idx.msk [tilespmem:v30+s15+$0x0], $0xffff  }
0xad: {  	v11 =	vadd.f32 v18, v11;
	v14 =	vadd.f32 v15, v14;
	v15 =	vmul.f32 v23, v33;
	v18 =	vld.idx.msk [tilespmem:v30+s17+$0x0], $0xffff  }
0xae: {  	v16 =	vmul.f32 v16, v20;
	v23 =	vand.u32 $0x7F, v32;
	v27 =	vor.u32 v2, v27;
	v20 =	vld.idx.msk [tilespmem:v26+s15+$0x0], $0xffff  }
0xaf: {  	v11 =	vadd.f32 v17, v11;
	v14 =	vadd.f32 v15, v14;
	v13 =	vmul.f32 v25, v13;
	v15 =	vld.idx.msk [tilespmem:v26+s17+$0x0], $0xffff  }
0xb0: {  	v10 =	vmul.f32 v12, v10;
	v17 =	vand.u32 $0x7F, v31;
	v23 =	vor.u32 v2, v23;
	v12 =	vld.idx.msk [tilespmem:v35+s15+$0x0], $0xffff  }
0xb1: {  	v16 =	vadd.f32 v16, v11;
	v14 =	vadd.f32 v13, v14;
	v19 =	vmul.f32 v19, v24;
	v24 =	vld.idx.msk [tilespmem:v35+s17+$0x0], $0xffff  }
0xb2: {  	v7 =	vmul.f32 v8, v7;
	v25 =	vand.u32 $0x7F, v34;
	v26 =	vor.u32 v2, v17;
	v11 =	vld.idx.msk [tilespmem:v21+s15+$0x0], $0xffff  }
0xb3: {  	v8 =	vadd.f32 v10, v16;
	v10 =	vadd.f32 v19, v14;
	v14 =	vmul.f32 v18, v22;
	v13 =	vld.idx.msk [tilespmem:v21+s17+$0x0], $0xffff  }
0xb4: {  	v16 =	vand.u32 $0x7F, v36;
	v17 =	vmul.f32 v5, v3;
	v21 =	vor.u32 v2, v25;
	v18 =	vld.idx.msk [tilespmem:v27+s15+$0x0], $0xffff  }
0xb5: {  	s20 =	sadd.s32 $0xFFFFFFF5, s18;
	v7 =	vadd.f32 v7, v8;
	v8 =	vadd.f32 v14, v10;
	v10 =	vmul.f32 v15, v20;
	v22 =	vld.idx.msk [tilespmem:v27+s17+$0x0], $0xffff  }
0xb6: {  	v4 =	vmul.f32 v6, v4;
	v16 =	vor.u32 v2, v16;
	v14 =	vadd.s32 s20, v0;
	v3 =	vld.idx.msk [tilespmem:v23+s15+$0x0], $0xffff  }
.Ltmp2:
0xb7: {  	v6 =	vadd.f32 v17, v7;
	s20 =	sadd.s32 $0xFFFFFFF3, s18;
	v10 =	vadd.f32 v10, v8;
	v12 =	vmul.f32 v24, v12;
	v5 =	vld.idx.msk [tilespmem:v23+s17+$0x0], $0xffff;
	(pc) =	sbr.rel @p0 .LBB2_7-.Ltmp2, $4  }
0xb8: {  	v19 =	vadd.s32 s20, v0;
	v8 =	vand.u32 $0x7F, v14;
	v7 =	vld.idx.msk [tilespmem:v26+s15+$0x0], $0xffff  }
0xb9: {  	v14 =	vadd.f32 v4, v6;
	v17 =	vor.u32 v2, v8;
	v15 =	vadd.f32 v12, v10;
	v8 =	vld.idx.msk [tilespmem:v26+s17+$0x0], $0xffff  }
0xba: {  	s20 =	sadd.s32 $0xFFFFFFF2, s18;
	v20 =	vand.u32 $0x7F, v19;
	v4 =	vmov v18;
	v10 =	vld.idx.msk [tilespmem:v21+s15+$0x0], $0xffff  }
0xbb: {  	s18 =	sadd.s32 $0x10, s18;
	v19 =	vadd.s32 s20, v0;
	v18 =	vor.u32 v2, v20;
	v6 =	vmov v22;
	v12 =	vld.idx.msk [tilespmem:v21+s17+$0x0], $0xffff  }
0xbc: {  	_ =	sdelay $0x3  }
0xbd: {  	v9 =	vand.u32 $0x7F, v19;
	s18 =	sadd.s32 $0xFFFFFFF4, s16;
	v41 =	vld.idx.msk [tilespmem:v16+s15+$0x0], $0xffff  }
0xbe: {  	v42 =	vld.idx.msk [tilespmem:v16+s17+$0x0], $0xffff;
	v9 =	vor.u32 v2, v9;
	v20 =	vadd.s32 s18, v0  }
0xbf: {  	v21 =	vld.idx.msk [tilespmem:v17+s15+$0x0], $0xffff;
	s29 =	sadd.s32 $0xFFFFFFF6, s16;
	v20 =	vand.u32 $0x7F, v20  }
0xc0: {  	v43 =	vld.idx.msk [tilespmem:v17+s17+$0x0], $0xffff;
	v22 =	vadd.s32 s29, v0;
	v20 =	vor.u32 v2, v20  }
0xc1: {  	v23 =	vld.idx.msk [tilespmem:v18+s15+$0x0], $0xffff;
	s20 =	sadd.s32 $0xFFFFFFF8, s16;
	v22 =	vand.u32 $0x7F, v22  }
0xc2: {  	v44 =	vld.idx.msk [tilespmem:v18+s17+$0x0], $0xffff;
	v24 =	vadd.s32 s20, v0;
	v22 =	vor.u32 v2, v22  }
0xc3: {  	s22 =	sadd.s32 $0xFFFFFFFA, s16;
	v24 =	vand.u32 $0x7F, v24;
	v25 =	vld.idx.msk [tilespmem:v9+s15+$0x0], $0xffff  }
0xc4: {  	v26 =	vadd.s32 s22, v0;
	v24 =	vor.u32 v2, v24;
	v9 =	vld.idx.msk [tilespmem:v9+s17+$0x0], $0xffff  }
0xc5: {  	s23 =	sadd.s32 $0xFFFFFFFC, s16;
	v26 =	vand.u32 $0x7F, v26;
	v27 =	vld.idx.msk [tilespmem:v20+s15+$0x0], $0xffff  }
0xc6: {  	v28 =	vadd.s32 s23, v0;
	v26 =	vor.u32 v2, v26;
	v20 =	vld.idx.msk [tilespmem:v20+s17+$0x0], $0xffff  }
0xc7: {  	s29 =	sadd.s32 $0xFFFFFFFE, s16;
	v28 =	vand.u32 $0x7F, v28;
	v29 =	vld.idx.msk [tilespmem:v22+s15+$0x0], $0xffff  }
0xc8: {  	v11 =	vmul.f32 v13, v11;
	v30 =	vadd.s32 s29, v0;
	v28 =	vor.u32 v2, v28;
	v22 =	vld.idx.msk [tilespmem:v22+s17+$0x0], $0xffff  }
0xc9: {  	v31 =	vadd.s32 s16, v0;
	v30 =	vand.u32 $0x7F, v30;
	v45 =	vld.idx.msk [tilespmem:v24+s15+$0x0], $0xffff;
	v9 =	vmul.f32 v9, v25  }
0xca: {  	v47 =	vand.u32 $0x7F, v31;
	v11 =	vadd.f32 v11, v14;
	v46 =	vor.u32 v2, v30;
	v24 =	vld.idx.msk [tilespmem:v24+s17+$0x0], $0xffff  }
0xcb: {  	v18 =	vmul.f32 v44, v23;
	v48 =	vld.idx.msk [tilespmem:v26+s15+$0x0], $0xffff;
	v9 =	vadd.f32 v9, v15;
	v49 =	vmul.f32 v20, v27  }
0xcc: {  	v2 =	vor.u32 v2, v47;
	v17 =	vmul.f32 v43, v21;
	v50 =	vld.idx.msk [tilespmem:v26+s17+$0x0], $0xffff  }
0xcd: {  	v11 =	vadd.f32 v18, v11;
	v51 =	vld.idx.msk [tilespmem:v28+s15+$0x0], $0xffff;
	v52 =	vmul.f32 v22, v29;
	v9 =	vadd.f32 v49, v9  }
0xce: {  	v16 =	vmul.f32 v42, v41;
	v53 =	vld.idx.msk [tilespmem:v28+s17+$0x0], $0xffff  }
0xcf: {  	v54 =	vld.idx.msk [tilespmem:v46+s15+$0x0], $0xffff;
	v11 =	vadd.f32 v17, v11;
	v13 =	vmul.f32 v24, v45;
	v9 =	vadd.f32 v52, v9  }
0xd0: {  	v10 =	vmul.f32 v12, v10;
	v55 =	vld.idx.msk [tilespmem:v46+s17+$0x0], $0xffff  }
0xd1: {  	v56 =	vld.idx.msk [tilespmem:v2+s15+$0x0], $0xffff;
	v11 =	vadd.f32 v16, v11;
	v57 =	vmul.f32 v50, v48;
	v9 =	vadd.f32 v13, v9  }
0xd2: {  	v7 =	vmul.f32 v8, v7;
	v2 =	vld.idx.msk [tilespmem:v2+s17+$0x0], $0xffff  }
0xd3: {  	v58 =	vadd.f32 v10, v11;
	v59 =	vmul.f32 v53, v51;
	v9 =	vadd.f32 v57, v9  }
0xd4: {  	v3 =	vmul.f32 v5, v3  }
0xd5: {  	v62 =	vmul.f32 v55, v54;
	v60 =	vadd.f32 v7, v58;
	v61 =	vadd.f32 v59, v9  }
0xd6: {  	v4 =	vmul.f32 v6, v4  }
0xd7: {  	s0 =	sadd.s32 $0x1, s0;
	v2 =	vmul.f32 v2, v56;
	v3 =	vadd.f32 v3, v60;
	v63 =	vadd.f32 v62, v61  }
0xd8: {  	p0 =	sne.s32 s0, $0x8  }
.Ltmp3:
0xd9: {  	v3 =	vadd.f32 v4, v3;
	v2 =	vadd.f32 v2, v63;
	(pc) =	sbr.rel @p0 .LBB2_6-.Ltmp3, $3  }
0xda: {  	_ = 	snop  }
0xdb: {  	v2 =	vadd.f32 v2, v3;
	_ =	sdelay $0x1  }
0xdc: {  	[tilespmem:s3+$0x18480] =	vst v2  }
0xdd: {  	_ =	swait.ge [sflag:s26], $0x4000  }
0xde: {  	[sflag:s26] =	ssyncset.done $0x0  }
0xdf: {  	[sflag:s26] =	ssyncadd.s32 $0xFFFFC000  }
0xe0: {  	_ =	swait.ge [sflag:s28], $0x4000  }
0xe1: {  	[sflag:s28] =	ssyncset.done $0x0  }
0xe2: {  	s0 =	simm.s32 $0x0;
	[sflag:s28] =	ssyncadd.s32 $0xFFFFC000  }
.LBB2_10:
0xe3: {  	s3 =	sshll.u32 s0, $0x4  }
0xe4: {  	s16 =	simm.s32 $0xE;
	v2 =	vmov s3  }
0xe5: {  	s29 =	simm.s32 $0xA;
	v3 =	vadd.s32 s16, v0;
	v2 =	vshll.u32 v2, $0x7  }
0xe6: {  	v6 =	vadd.s32 s29, v0;
	v3 =	vand.u32 $0x7F, v3;
	v2 =	vor.u32 v1, v2  }
0xe7: {  	v6 =	vand.u32 $0x7F, v6;
	v3 =	vor.u32 v2, v3  }
0xe8: {  	s18 =	simm.s32 $0x0;
	v9 =	vor.u32 v0, v2;
	v8 =	vor.u32 v2, v6  }
0xe9: {  	v4 =	vor.u32 s18, v9;
	s18 =	simm.s32 $0x8  }
0xea: {  	s23 =	simm.s32 $0xC;
	v7 =	vadd.s32 s18, v0  }
0xeb: {  	v5 =	vadd.s32 s23, v0;
	v6 =	vand.u32 $0x7F, v7  }
0xec: {  	v5 =	vand.u32 $0x7F, v5;
	v12 =	vor.u32 v2, v6;
	v6 =	vld.idx.msk [tilespmem:v3+s21+$0x0], $0xffff  }
0xed: {  	v5 =	vor.u32 v2, v5;
	v7 =	vld.idx.msk [tilespmem:v8+s19+$0x0], $0xffff  }
0xee: {  	s20 =	simm.s32 $0x6;
	v8 =	vld.idx.msk [tilespmem:v8+s21+$0x0], $0xffff  }
0xef: {  	v10 =	vadd.s32 s20, v0;
	v11 =	vld.idx.msk [tilespmem:v4+s19+$0x0], $0xffff  }
0xf0: {  	s22 =	simm.s32 $0x4;
	v10 =	vand.u32 $0x7F, v10;
	v13 =	vld.idx.msk [tilespmem:v4+s21+$0x0], $0xffff  }
0xf1: {  	v15 =	vadd.s32 s22, v0;
	v16 =	vor.u32 v2, v10;
	v4 =	vld.idx.msk [tilespmem:v3+s19+$0x0], $0xffff  }
0xf2: {  	s23 =	simm.s32 $0x2;
	v15 =	vand.u32 $0x7F, v15;
	v3 =	vld.idx.msk [tilespmem:v5+s19+$0x0], $0xffff  }
0xf3: {  	v18 =	vadd.s32 s23, v0;
	v17 =	vor.u32 v2, v15;
	v5 =	vld.idx.msk [tilespmem:v5+s21+$0x0], $0xffff  }
0xf4: {  	v14 =	vimm.f32 $0.0e+00;
	s29 =	simm.s32 $0x1;
	v15 =	vand.u32 $0x7F, v18;
	v10 =	vld.idx.msk [tilespmem:v12+s19+$0x0], $0xffff  }
0xf5: {  	s16 =	simm.s32 $0xF;
	v19 =	vadd.s32 s29, v0;
	v18 =	vor.u32 v2, v15;
	v15 =	vimm.f32 $0.0e+00;
	s18 =	simm.s32 $0x1F;
	v12 =	vld.idx.msk [tilespmem:v12+s21+$0x0], $0xffff  }
.LBB2_11:
0xf6: {  	p0 =	sne.s32 s18, $0x7F;
	v19 =	vand.u32 $0x7F, v19;
	s20 =	sadd.s32 $0xFFFFFFF4, s16;
	v20 =	vld.idx.msk [tilespmem:v16+s19+$0x0], $0xffff  }
0xf7: {  	v19 =	vor.u32 v2, v19;
	v21 =	vadd.s32 s20, v0;
	v16 =	vld.idx.msk [tilespmem:v16+s21+$0x0], $0xffff  }
0xf8: {  	s20 =	sadd.s32 $0xFFFFFFF6, s16;
	v21 =	vand.u32 $0x7F, v21;
	v22 =	vld.idx.msk [tilespmem:v17+s19+$0x0], $0xffff  }
0xf9: {  	v23 =	vadd.s32 s20, v0;
	v21 =	vor.u32 v2, v21;
	v17 =	vld.idx.msk [tilespmem:v17+s21+$0x0], $0xffff  }
0xfa: {  	s20 =	sadd.s32 $0xFFFFFFF8, s16;
	v23 =	vand.u32 $0x7F, v23;
	v24 =	vld.idx.msk [tilespmem:v18+s19+$0x0], $0xffff  }
0xfb: {  	v25 =	vadd.s32 s20, v0;
	v23 =	vor.u32 v2, v23;
	v18 =	vld.idx.msk [tilespmem:v18+s21+$0x0], $0xffff  }
0xfc: {  	s20 =	sadd.s32 $0xFFFFFFFA, s16;
	v25 =	vand.u32 $0x7F, v25;
	v26 =	vld.idx.msk [tilespmem:v19+s19+$0x0], $0xffff  }
0xfd: {  	v27 =	vadd.s32 s20, v0;
	v25 =	vor.u32 v2, v25;
	v19 =	vld.idx.msk [tilespmem:v19+s21+$0x0], $0xffff  }
0xfe: {  	s22 =	sadd.s32 $0xFFFFFFFC, s16;
	s20 =	sadd.s32 $0xFFFFFFFF, s18;
	v27 =	vand.u32 $0x7F, v27;
	v28 =	vld.idx.msk [tilespmem:v21+s19+$0x0], $0xffff  }
0xff: {  	s23 =	sadd.s32 $0xFFFFFFFB, s18;
	s29 =	sadd.s32 $0xFFFFFFFD, s18;
	v30 =	vadd.s32 s22, v0;
	v29 =	vadd.s32 s20, v0;
	v27 =	vor.u32 v2, v27;
	v21 =	vld.idx.msk [tilespmem:v21+s21+$0x0], $0xffff  }
0x100: {  	v31 =	vadd.s32 s23, v0;
	v32 =	vadd.s32 s29, v0;
	s22 =	sadd.s32 $0xFFFFFFFE, s16;
	v30 =	vand.u32 $0x7F, v30;
	s20 =	sadd.s32 $0xFFFFFFF9, s18;
	v33 =	vld.idx.msk [tilespmem:v23+s19+$0x0], $0xffff  }
0x101: {  	v35 =	vadd.s32 s22, v0;
	v30 =	vor.u32 v2, v30;
	v34 =	vadd.s32 s20, v0;
	v23 =	vld.idx.msk [tilespmem:v23+s21+$0x0], $0xffff  }
0x102: {  	v11 =	vmul.f32 v13, v11;
	v36 =	vadd.s32 s16, v0;
	v35 =	vand.u32 $0x7F, v35;
	s16 =	smov.u32 s18;
	v13 =	vld.idx.msk [tilespmem:v25+s19+$0x0], $0xffff  }
0x103: {  	s20 =	sadd.s32 $0xFFFFFFF7, s18;
	v19 =	vmul.f32 v19, v26;
	v26 =	vor.u32 v2, v35;
	v35 =	vand.u32 $0x7F, v36;
	v25 =	vld.idx.msk [tilespmem:v25+s21+$0x0], $0xffff  }
0x104: {  	v18 =	vmul.f32 v18, v24;
	v36 =	vadd.s32 s20, v0;
	v35 =	vor.u32 v2, v35;
	v24 =	vld.idx.msk [tilespmem:v27+s19+$0x0], $0xffff  }
0x105: {  	v11 =	vadd.f32 v11, v14;
	s20 =	sadd.s32 $0xFFFFFFF1, s18;
	v14 =	vadd.f32 v19, v15;
	v15 =	vmul.f32 v21, v28;
	v19 =	vld.idx.msk [tilespmem:v27+s21+$0x0], $0xffff  }
0x106: {  	v17 =	vmul.f32 v17, v22;
	v21 =	vor.u32 s20, v9;
	v27 =	vand.u32 $0x7F, v29;
	v22 =	vld.idx.msk [tilespmem:v30+s19+$0x0], $0xffff  }
0x107: {  	v11 =	vadd.f32 v18, v11;
	v14 =	vadd.f32 v15, v14;
	v15 =	vmul.f32 v23, v33;
	v18 =	vld.idx.msk [tilespmem:v30+s21+$0x0], $0xffff  }
0x108: {  	v16 =	vmul.f32 v16, v20;
	v23 =	vand.u32 $0x7F, v32;
	v27 =	vor.u32 v2, v27;
	v20 =	vld.idx.msk [tilespmem:v26+s19+$0x0], $0xffff  }
0x109: {  	v11 =	vadd.f32 v17, v11;
	v14 =	vadd.f32 v15, v14;
	v13 =	vmul.f32 v25, v13;
	v15 =	vld.idx.msk [tilespmem:v26+s21+$0x0], $0xffff  }
0x10a: {  	v10 =	vmul.f32 v12, v10;
	v17 =	vand.u32 $0x7F, v31;
	v23 =	vor.u32 v2, v23;
	v12 =	vld.idx.msk [tilespmem:v35+s19+$0x0], $0xffff  }
0x10b: {  	v16 =	vadd.f32 v16, v11;
	v14 =	vadd.f32 v13, v14;
	v19 =	vmul.f32 v19, v24;
	v24 =	vld.idx.msk [tilespmem:v35+s21+$0x0], $0xffff  }
0x10c: {  	v7 =	vmul.f32 v8, v7;
	v25 =	vand.u32 $0x7F, v34;
	v26 =	vor.u32 v2, v17;
	v11 =	vld.idx.msk [tilespmem:v21+s19+$0x0], $0xffff  }
0x10d: {  	v8 =	vadd.f32 v10, v16;
	v10 =	vadd.f32 v19, v14;
	v14 =	vmul.f32 v18, v22;
	v13 =	vld.idx.msk [tilespmem:v21+s21+$0x0], $0xffff  }
0x10e: {  	v16 =	vand.u32 $0x7F, v36;
	v17 =	vmul.f32 v5, v3;
	v21 =	vor.u32 v2, v25;
	v18 =	vld.idx.msk [tilespmem:v27+s19+$0x0], $0xffff  }
0x10f: {  	s20 =	sadd.s32 $0xFFFFFFF5, s18;
	v7 =	vadd.f32 v7, v8;
	v8 =	vadd.f32 v14, v10;
	v10 =	vmul.f32 v15, v20;
	v22 =	vld.idx.msk [tilespmem:v27+s21+$0x0], $0xffff  }
0x110: {  	v4 =	vmul.f32 v6, v4;
	v16 =	vor.u32 v2, v16;
	v14 =	vadd.s32 s20, v0;
	v3 =	vld.idx.msk [tilespmem:v23+s19+$0x0], $0xffff  }
.Ltmp4:
0x111: {  	v6 =	vadd.f32 v17, v7;
	s20 =	sadd.s32 $0xFFFFFFF3, s18;
	v10 =	vadd.f32 v10, v8;
	v12 =	vmul.f32 v24, v12;
	v5 =	vld.idx.msk [tilespmem:v23+s21+$0x0], $0xffff;
	(pc) =	sbr.rel @p0 .LBB2_11-.Ltmp4, $4  }
0x112: {  	v19 =	vadd.s32 s20, v0;
	v8 =	vand.u32 $0x7F, v14;
	v7 =	vld.idx.msk [tilespmem:v26+s19+$0x0], $0xffff  }
0x113: {  	v14 =	vadd.f32 v4, v6;
	v17 =	vor.u32 v2, v8;
	v15 =	vadd.f32 v12, v10;
	v8 =	vld.idx.msk [tilespmem:v26+s21+$0x0], $0xffff  }
0x114: {  	s20 =	sadd.s32 $0xFFFFFFF2, s18;
	v20 =	vand.u32 $0x7F, v19;
	v4 =	vmov v18;
	v10 =	vld.idx.msk [tilespmem:v21+s19+$0x0], $0xffff  }
0x115: {  	s18 =	sadd.s32 $0x10, s18;
	v19 =	vadd.s32 s20, v0;
	v18 =	vor.u32 v2, v20;
	v6 =	vmov v22;
	v12 =	vld.idx.msk [tilespmem:v21+s21+$0x0], $0xffff  }
0x116: {  	_ =	sdelay $0x3  }
0x117: {  	v9 =	vand.u32 $0x7F, v19;
	s18 =	sadd.s32 $0xFFFFFFF4, s16;
	v41 =	vld.idx.msk [tilespmem:v16+s19+$0x0], $0xffff  }
0x118: {  	v42 =	vld.idx.msk [tilespmem:v16+s21+$0x0], $0xffff;
	v9 =	vor.u32 v2, v9;
	v20 =	vadd.s32 s18, v0  }
0x119: {  	v21 =	vld.idx.msk [tilespmem:v17+s19+$0x0], $0xffff;
	s29 =	sadd.s32 $0xFFFFFFF6, s16;
	v20 =	vand.u32 $0x7F, v20  }
0x11a: {  	v43 =	vld.idx.msk [tilespmem:v17+s21+$0x0], $0xffff;
	v22 =	vadd.s32 s29, v0;
	v20 =	vor.u32 v2, v20  }
0x11b: {  	v23 =	vld.idx.msk [tilespmem:v18+s19+$0x0], $0xffff;
	s20 =	sadd.s32 $0xFFFFFFF8, s16;
	v22 =	vand.u32 $0x7F, v22  }
0x11c: {  	v44 =	vld.idx.msk [tilespmem:v18+s21+$0x0], $0xffff;
	v24 =	vadd.s32 s20, v0;
	v22 =	vor.u32 v2, v22  }
0x11d: {  	s22 =	sadd.s32 $0xFFFFFFFA, s16;
	v24 =	vand.u32 $0x7F, v24;
	v25 =	vld.idx.msk [tilespmem:v9+s19+$0x0], $0xffff  }
0x11e: {  	v26 =	vadd.s32 s22, v0;
	v24 =	vor.u32 v2, v24;
	v9 =	vld.idx.msk [tilespmem:v9+s21+$0x0], $0xffff  }
0x11f: {  	s23 =	sadd.s32 $0xFFFFFFFC, s16;
	v26 =	vand.u32 $0x7F, v26;
	v27 =	vld.idx.msk [tilespmem:v20+s19+$0x0], $0xffff  }
0x120: {  	v28 =	vadd.s32 s23, v0;
	v26 =	vor.u32 v2, v26;
	v20 =	vld.idx.msk [tilespmem:v20+s21+$0x0], $0xffff  }
0x121: {  	s29 =	sadd.s32 $0xFFFFFFFE, s16;
	v28 =	vand.u32 $0x7F, v28;
	v29 =	vld.idx.msk [tilespmem:v22+s19+$0x0], $0xffff  }
0x122: {  	v11 =	vmul.f32 v13, v11;
	v30 =	vadd.s32 s29, v0;
	v28 =	vor.u32 v2, v28;
	v22 =	vld.idx.msk [tilespmem:v22+s21+$0x0], $0xffff  }
0x123: {  	v31 =	vadd.s32 s16, v0;
	v30 =	vand.u32 $0x7F, v30;
	v45 =	vld.idx.msk [tilespmem:v24+s19+$0x0], $0xffff;
	v9 =	vmul.f32 v9, v25  }
0x124: {  	v47 =	vand.u32 $0x7F, v31;
	v11 =	vadd.f32 v11, v14;
	v46 =	vor.u32 v2, v30;
	v24 =	vld.idx.msk [tilespmem:v24+s21+$0x0], $0xffff  }
0x125: {  	v18 =	vmul.f32 v44, v23;
	v48 =	vld.idx.msk [tilespmem:v26+s19+$0x0], $0xffff;
	v9 =	vadd.f32 v9, v15;
	v49 =	vmul.f32 v20, v27  }
0x126: {  	v2 =	vor.u32 v2, v47;
	v17 =	vmul.f32 v43, v21;
	v50 =	vld.idx.msk [tilespmem:v26+s21+$0x0], $0xffff  }
0x127: {  	v11 =	vadd.f32 v18, v11;
	v51 =	vld.idx.msk [tilespmem:v28+s19+$0x0], $0xffff;
	v52 =	vmul.f32 v22, v29;
	v9 =	vadd.f32 v49, v9  }
0x128: {  	v16 =	vmul.f32 v42, v41;
	v53 =	vld.idx.msk [tilespmem:v28+s21+$0x0], $0xffff  }
0x129: {  	v54 =	vld.idx.msk [tilespmem:v46+s19+$0x0], $0xffff;
	v11 =	vadd.f32 v17, v11;
	v13 =	vmul.f32 v24, v45;
	v9 =	vadd.f32 v52, v9  }
0x12a: {  	v10 =	vmul.f32 v12, v10;
	v55 =	vld.idx.msk [tilespmem:v46+s21+$0x0], $0xffff  }
0x12b: {  	v56 =	vld.idx.msk [tilespmem:v2+s19+$0x0], $0xffff;
	v11 =	vadd.f32 v16, v11;
	v57 =	vmul.f32 v50, v48;
	v9 =	vadd.f32 v13, v9  }
0x12c: {  	v7 =	vmul.f32 v8, v7;
	v2 =	vld.idx.msk [tilespmem:v2+s21+$0x0], $0xffff  }
0x12d: {  	v58 =	vadd.f32 v10, v11;
	v59 =	vmul.f32 v53, v51;
	v9 =	vadd.f32 v57, v9  }
0x12e: {  	v3 =	vmul.f32 v5, v3  }
0x12f: {  	v62 =	vmul.f32 v55, v54;
	v60 =	vadd.f32 v7, v58;
	v61 =	vadd.f32 v59, v9  }
0x130: {  	v4 =	vmul.f32 v6, v4  }
0x131: {  	s0 =	sadd.s32 $0x1, s0;
	v2 =	vmul.f32 v2, v56;
	v3 =	vadd.f32 v3, v60;
	v63 =	vadd.f32 v62, v61  }
0x132: {  	p0 =	sne.s32 s0, $0x8  }
.Ltmp5:
0x133: {  	v3 =	vadd.f32 v4, v3;
	v2 =	vadd.f32 v2, v63;
	(pc) =	sbr.rel @p0 .LBB2_10-.Ltmp5, $3  }
0x134: {  	_ = 	snop  }
0x135: {  	v2 =	vadd.f32 v2, v3;
	_ =	sdelay $0x1  }
0x136: {  	[tilespmem:s3+$0x18500] =	vst v2  }
0x137: {  	_ =	swait.ge [sflag:s10], $0x4000  }
0x138: {  	[sflag:s10] =	ssyncset.done $0x0  }
0x139: {  	[sflag:s10] =	ssyncadd.s32 $0xFFFFC000  }
0x13a: {  	_ =	swait.ge [sflag:s11], $0x4000  }
0x13b: {  	[sflag:s11] =	ssyncset.done $0x0  }
0x13c: {  	s0 =	simm.s32 $0x0;
	[sflag:s11] =	ssyncadd.s32 $0xFFFFC000  }
.LBB2_14:
0x13d: {  	s3 =	sshll.u32 s0, $0x4  }
0x13e: {  	s16 =	simm.s32 $0xE;
	v2 =	vmov s3  }
0x13f: {  	s29 =	simm.s32 $0xA;
	v3 =	vadd.s32 s16, v0;
	v2 =	vshll.u32 v2, $0x7  }
0x140: {  	v6 =	vadd.s32 s29, v0;
	v3 =	vand.u32 $0x7F, v3;
	v2 =	vor.u32 v1, v2  }
0x141: {  	v6 =	vand.u32 $0x7F, v6;
	v3 =	vor.u32 v2, v3  }
0x142: {  	s18 =	simm.s32 $0x0;
	v9 =	vor.u32 v0, v2;
	v8 =	vor.u32 v2, v6  }
0x143: {  	v4 =	vor.u32 s18, v9;
	s18 =	simm.s32 $0x8  }
0x144: {  	s23 =	simm.s32 $0xC;
	v7 =	vadd.s32 s18, v0  }
0x145: {  	v5 =	vadd.s32 s23, v0;
	v6 =	vand.u32 $0x7F, v7  }
0x146: {  	v5 =	vand.u32 $0x7F, v5;
	v12 =	vor.u32 v2, v6;
	v6 =	vld.idx.msk [tilespmem:v3+s14+$0x0], $0xffff  }
0x147: {  	v5 =	vor.u32 v2, v5;
	v7 =	vld.idx.msk [tilespmem:v8+s13+$0x0], $0xffff  }
0x148: {  	s20 =	simm.s32 $0x6;
	v8 =	vld.idx.msk [tilespmem:v8+s14+$0x0], $0xffff  }
0x149: {  	v10 =	vadd.s32 s20, v0;
	v11 =	vld.idx.msk [tilespmem:v4+s13+$0x0], $0xffff  }
0x14a: {  	s22 =	simm.s32 $0x4;
	v10 =	vand.u32 $0x7F, v10;
	v13 =	vld.idx.msk [tilespmem:v4+s14+$0x0], $0xffff  }
0x14b: {  	v15 =	vadd.s32 s22, v0;
	v16 =	vor.u32 v2, v10;
	v4 =	vld.idx.msk [tilespmem:v3+s13+$0x0], $0xffff  }
0x14c: {  	s23 =	simm.s32 $0x2;
	v15 =	vand.u32 $0x7F, v15;
	v3 =	vld.idx.msk [tilespmem:v5+s13+$0x0], $0xffff  }
0x14d: {  	v18 =	vadd.s32 s23, v0;
	v17 =	vor.u32 v2, v15;
	v5 =	vld.idx.msk [tilespmem:v5+s14+$0x0], $0xffff  }
0x14e: {  	v14 =	vimm.f32 $0.0e+00;
	s29 =	simm.s32 $0x1;
	v15 =	vand.u32 $0x7F, v18;
	v10 =	vld.idx.msk [tilespmem:v12+s13+$0x0], $0xffff  }
0x14f: {  	s16 =	simm.s32 $0xF;
	v19 =	vadd.s32 s29, v0;
	v18 =	vor.u32 v2, v15;
	v15 =	vimm.f32 $0.0e+00;
	s18 =	simm.s32 $0x1F;
	v12 =	vld.idx.msk [tilespmem:v12+s14+$0x0], $0xffff  }
.LBB2_15:
0x150: {  	p0 =	sne.s32 s18, $0x7F;
	v19 =	vand.u32 $0x7F, v19;
	s20 =	sadd.s32 $0xFFFFFFF4, s16;
	v20 =	vld.idx.msk [tilespmem:v16+s13+$0x0], $0xffff  }
0x151: {  	v19 =	vor.u32 v2, v19;
	v21 =	vadd.s32 s20, v0;
	v16 =	vld.idx.msk [tilespmem:v16+s14+$0x0], $0xffff  }
0x152: {  	s20 =	sadd.s32 $0xFFFFFFF6, s16;
	v21 =	vand.u32 $0x7F, v21;
	v22 =	vld.idx.msk [tilespmem:v17+s13+$0x0], $0xffff  }
0x153: {  	v23 =	vadd.s32 s20, v0;
	v21 =	vor.u32 v2, v21;
	v17 =	vld.idx.msk [tilespmem:v17+s14+$0x0], $0xffff  }
0x154: {  	s20 =	sadd.s32 $0xFFFFFFF8, s16;
	v23 =	vand.u32 $0x7F, v23;
	v24 =	vld.idx.msk [tilespmem:v18+s13+$0x0], $0xffff  }
0x155: {  	v25 =	vadd.s32 s20, v0;
	v23 =	vor.u32 v2, v23;
	v18 =	vld.idx.msk [tilespmem:v18+s14+$0x0], $0xffff  }
0x156: {  	s20 =	sadd.s32 $0xFFFFFFFA, s16;
	v25 =	vand.u32 $0x7F, v25;
	v26 =	vld.idx.msk [tilespmem:v19+s13+$0x0], $0xffff  }
0x157: {  	v27 =	vadd.s32 s20, v0;
	v25 =	vor.u32 v2, v25;
	v19 =	vld.idx.msk [tilespmem:v19+s14+$0x0], $0xffff  }
0x158: {  	s22 =	sadd.s32 $0xFFFFFFFC, s16;
	s20 =	sadd.s32 $0xFFFFFFFF, s18;
	v27 =	vand.u32 $0x7F, v27;
	v28 =	vld.idx.msk [tilespmem:v21+s13+$0x0], $0xffff  }
0x159: {  	s23 =	sadd.s32 $0xFFFFFFFB, s18;
	s29 =	sadd.s32 $0xFFFFFFFD, s18;
	v30 =	vadd.s32 s22, v0;
	v29 =	vadd.s32 s20, v0;
	v27 =	vor.u32 v2, v27;
	v21 =	vld.idx.msk [tilespmem:v21+s14+$0x0], $0xffff  }
0x15a: {  	v31 =	vadd.s32 s23, v0;
	v32 =	vadd.s32 s29, v0;
	s22 =	sadd.s32 $0xFFFFFFFE, s16;
	v30 =	vand.u32 $0x7F, v30;
	s20 =	sadd.s32 $0xFFFFFFF9, s18;
	v33 =	vld.idx.msk [tilespmem:v23+s13+$0x0], $0xffff  }
0x15b: {  	v35 =	vadd.s32 s22, v0;
	v30 =	vor.u32 v2, v30;
	v34 =	vadd.s32 s20, v0;
	v23 =	vld.idx.msk [tilespmem:v23+s14+$0x0], $0xffff  }
0x15c: {  	v11 =	vmul.f32 v13, v11;
	v36 =	vadd.s32 s16, v0;
	v35 =	vand.u32 $0x7F, v35;
	s16 =	smov.u32 s18;
	v13 =	vld.idx.msk [tilespmem:v25+s13+$0x0], $0xffff  }
0x15d: {  	s20 =	sadd.s32 $0xFFFFFFF7, s18;
	v19 =	vmul.f32 v19, v26;
	v26 =	vor.u32 v2, v35;
	v35 =	vand.u32 $0x7F, v36;
	v25 =	vld.idx.msk [tilespmem:v25+s14+$0x0], $0xffff  }
0x15e: {  	v18 =	vmul.f32 v18, v24;
	v36 =	vadd.s32 s20, v0;
	v35 =	vor.u32 v2, v35;
	v24 =	vld.idx.msk [tilespmem:v27+s13+$0x0], $0xffff  }
0x15f: {  	v11 =	vadd.f32 v11, v14;
	s20 =	sadd.s32 $0xFFFFFFF1, s18;
	v14 =	vadd.f32 v19, v15;
	v15 =	vmul.f32 v21, v28;
	v19 =	vld.idx.msk [tilespmem:v27+s14+$0x0], $0xffff  }
0x160: {  	v17 =	vmul.f32 v17, v22;
	v21 =	vor.u32 s20, v9;
	v27 =	vand.u32 $0x7F, v29;
	v22 =	vld.idx.msk [tilespmem:v30+s13+$0x0], $0xffff  }
0x161: {  	v11 =	vadd.f32 v18, v11;
	v14 =	vadd.f32 v15, v14;
	v15 =	vmul.f32 v23, v33;
	v18 =	vld.idx.msk [tilespmem:v30+s14+$0x0], $0xffff  }
0x162: {  	v16 =	vmul.f32 v16, v20;
	v23 =	vand.u32 $0x7F, v32;
	v27 =	vor.u32 v2, v27;
	v20 =	vld.idx.msk [tilespmem:v26+s13+$0x0], $0xffff  }
0x163: {  	v11 =	vadd.f32 v17, v11;
	v14 =	vadd.f32 v15, v14;
	v13 =	vmul.f32 v25, v13;
	v15 =	vld.idx.msk [tilespmem:v26+s14+$0x0], $0xffff  }
0x164: {  	v10 =	vmul.f32 v12, v10;
	v17 =	vand.u32 $0x7F, v31;
	v23 =	vor.u32 v2, v23;
	v12 =	vld.idx.msk [tilespmem:v35+s13+$0x0], $0xffff  }
0x165: {  	v16 =	vadd.f32 v16, v11;
	v14 =	vadd.f32 v13, v14;
	v19 =	vmul.f32 v19, v24;
	v24 =	vld.idx.msk [tilespmem:v35+s14+$0x0], $0xffff  }
0x166: {  	v7 =	vmul.f32 v8, v7;
	v25 =	vand.u32 $0x7F, v34;
	v26 =	vor.u32 v2, v17;
	v11 =	vld.idx.msk [tilespmem:v21+s13+$0x0], $0xffff  }
0x167: {  	v8 =	vadd.f32 v10, v16;
	v10 =	vadd.f32 v19, v14;
	v14 =	vmul.f32 v18, v22;
	v13 =	vld.idx.msk [tilespmem:v21+s14+$0x0], $0xffff  }
0x168: {  	v16 =	vand.u32 $0x7F, v36;
	v17 =	vmul.f32 v5, v3;
	v21 =	vor.u32 v2, v25;
	v18 =	vld.idx.msk [tilespmem:v27+s13+$0x0], $0xffff  }
0x169: {  	s20 =	sadd.s32 $0xFFFFFFF5, s18;
	v7 =	vadd.f32 v7, v8;
	v8 =	vadd.f32 v14, v10;
	v10 =	vmul.f32 v15, v20;
	v22 =	vld.idx.msk [tilespmem:v27+s14+$0x0], $0xffff  }
0x16a: {  	v4 =	vmul.f32 v6, v4;
	v16 =	vor.u32 v2, v16;
	v14 =	vadd.s32 s20, v0;
	v3 =	vld.idx.msk [tilespmem:v23+s13+$0x0], $0xffff  }
.Ltmp6:
0x16b: {  	v6 =	vadd.f32 v17, v7;
	s20 =	sadd.s32 $0xFFFFFFF3, s18;
	v10 =	vadd.f32 v10, v8;
	v12 =	vmul.f32 v24, v12;
	v5 =	vld.idx.msk [tilespmem:v23+s14+$0x0], $0xffff;
	(pc) =	sbr.rel @p0 .LBB2_15-.Ltmp6, $4  }
0x16c: {  	v19 =	vadd.s32 s20, v0;
	v8 =	vand.u32 $0x7F, v14;
	v7 =	vld.idx.msk [tilespmem:v26+s13+$0x0], $0xffff  }
0x16d: {  	v14 =	vadd.f32 v4, v6;
	v17 =	vor.u32 v2, v8;
	v15 =	vadd.f32 v12, v10;
	v8 =	vld.idx.msk [tilespmem:v26+s14+$0x0], $0xffff  }
0x16e: {  	s20 =	sadd.s32 $0xFFFFFFF2, s18;
	v20 =	vand.u32 $0x7F, v19;
	v4 =	vmov v18;
	v10 =	vld.idx.msk [tilespmem:v21+s13+$0x0], $0xffff  }
0x16f: {  	s18 =	sadd.s32 $0x10, s18;
	v19 =	vadd.s32 s20, v0;
	v18 =	vor.u32 v2, v20;
	v6 =	vmov v22;
	v12 =	vld.idx.msk [tilespmem:v21+s14+$0x0], $0xffff  }
0x170: {  	_ =	sdelay $0x3  }
0x171: {  	v9 =	vand.u32 $0x7F, v19;
	s18 =	sadd.s32 $0xFFFFFFF4, s16;
	v41 =	vld.idx.msk [tilespmem:v16+s13+$0x0], $0xffff  }
0x172: {  	v42 =	vld.idx.msk [tilespmem:v16+s14+$0x0], $0xffff;
	v9 =	vor.u32 v2, v9;
	v20 =	vadd.s32 s18, v0  }
0x173: {  	v21 =	vld.idx.msk [tilespmem:v17+s13+$0x0], $0xffff;
	s29 =	sadd.s32 $0xFFFFFFF6, s16;
	v20 =	vand.u32 $0x7F, v20  }
0x174: {  	v43 =	vld.idx.msk [tilespmem:v17+s14+$0x0], $0xffff;
	v22 =	vadd.s32 s29, v0;
	v20 =	vor.u32 v2, v20  }
0x175: {  	v23 =	vld.idx.msk [tilespmem:v18+s13+$0x0], $0xffff;
	s20 =	sadd.s32 $0xFFFFFFF8, s16;
	v22 =	vand.u32 $0x7F, v22  }
0x176: {  	v44 =	vld.idx.msk [tilespmem:v18+s14+$0x0], $0xffff;
	v24 =	vadd.s32 s20, v0;
	v22 =	vor.u32 v2, v22  }
0x177: {  	s22 =	sadd.s32 $0xFFFFFFFA, s16;
	v24 =	vand.u32 $0x7F, v24;
	v25 =	vld.idx.msk [tilespmem:v9+s13+$0x0], $0xffff  }
0x178: {  	v26 =	vadd.s32 s22, v0;
	v24 =	vor.u32 v2, v24;
	v9 =	vld.idx.msk [tilespmem:v9+s14+$0x0], $0xffff  }
0x179: {  	s23 =	sadd.s32 $0xFFFFFFFC, s16;
	v26 =	vand.u32 $0x7F, v26;
	v27 =	vld.idx.msk [tilespmem:v20+s13+$0x0], $0xffff  }
0x17a: {  	v28 =	vadd.s32 s23, v0;
	v26 =	vor.u32 v2, v26;
	v20 =	vld.idx.msk [tilespmem:v20+s14+$0x0], $0xffff  }
0x17b: {  	s29 =	sadd.s32 $0xFFFFFFFE, s16;
	v28 =	vand.u32 $0x7F, v28;
	v29 =	vld.idx.msk [tilespmem:v22+s13+$0x0], $0xffff  }
0x17c: {  	v11 =	vmul.f32 v13, v11;
	v30 =	vadd.s32 s29, v0;
	v28 =	vor.u32 v2, v28;
	v22 =	vld.idx.msk [tilespmem:v22+s14+$0x0], $0xffff  }
0x17d: {  	v31 =	vadd.s32 s16, v0;
	v30 =	vand.u32 $0x7F, v30;
	v45 =	vld.idx.msk [tilespmem:v24+s13+$0x0], $0xffff;
	v9 =	vmul.f32 v9, v25  }
0x17e: {  	v47 =	vand.u32 $0x7F, v31;
	v11 =	vadd.f32 v11, v14;
	v46 =	vor.u32 v2, v30;
	v24 =	vld.idx.msk [tilespmem:v24+s14+$0x0], $0xffff  }
0x17f: {  	v18 =	vmul.f32 v44, v23;
	v48 =	vld.idx.msk [tilespmem:v26+s13+$0x0], $0xffff;
	v9 =	vadd.f32 v9, v15;
	v49 =	vmul.f32 v20, v27  }
0x180: {  	v2 =	vor.u32 v2, v47;
	v17 =	vmul.f32 v43, v21;
	v50 =	vld.idx.msk [tilespmem:v26+s14+$0x0], $0xffff  }
0x181: {  	v11 =	vadd.f32 v18, v11;
	v51 =	vld.idx.msk [tilespmem:v28+s13+$0x0], $0xffff;
	v52 =	vmul.f32 v22, v29;
	v9 =	vadd.f32 v49, v9  }
0x182: {  	v16 =	vmul.f32 v42, v41;
	v53 =	vld.idx.msk [tilespmem:v28+s14+$0x0], $0xffff  }
0x183: {  	v54 =	vld.idx.msk [tilespmem:v46+s13+$0x0], $0xffff;
	v11 =	vadd.f32 v17, v11;
	v13 =	vmul.f32 v24, v45;
	v9 =	vadd.f32 v52, v9  }
0x184: {  	v10 =	vmul.f32 v12, v10;
	v55 =	vld.idx.msk [tilespmem:v46+s14+$0x0], $0xffff  }
0x185: {  	v56 =	vld.idx.msk [tilespmem:v2+s13+$0x0], $0xffff;
	v11 =	vadd.f32 v16, v11;
	v57 =	vmul.f32 v50, v48;
	v9 =	vadd.f32 v13, v9  }
0x186: {  	v7 =	vmul.f32 v8, v7;
	v2 =	vld.idx.msk [tilespmem:v2+s14+$0x0], $0xffff  }
0x187: {  	v58 =	vadd.f32 v10, v11;
	v59 =	vmul.f32 v53, v51;
	v9 =	vadd.f32 v57, v9  }
0x188: {  	v3 =	vmul.f32 v5, v3  }
0x189: {  	v62 =	vmul.f32 v55, v54;
	v60 =	vadd.f32 v7, v58;
	v61 =	vadd.f32 v59, v9  }
0x18a: {  	v4 =	vmul.f32 v6, v4  }
0x18b: {  	s0 =	sadd.s32 $0x1, s0;
	v2 =	vmul.f32 v2, v56;
	v3 =	vadd.f32 v3, v60;
	v63 =	vadd.f32 v62, v61  }
0x18c: {  	p0 =	sne.s32 s0, $0x8  }
.Ltmp7:
0x18d: {  	v3 =	vadd.f32 v4, v3;
	v2 =	vadd.f32 v2, v63;
	(pc) =	sbr.rel @p0 .LBB2_14-.Ltmp7, $3  }
0x18e: {  	_ = 	snop  }
0x18f: {  	v2 =	vadd.f32 v2, v3;
	_ =	sdelay $0x1  }
0x190: {  	[tilespmem:s3+$0x18580] =	vst v2  }
0x191: {  	s31 =	sadd.s32 $0x1, s31  }
0x192: {  	p0 =	sne.s32 s31, s8  }
.Ltmp8:
0x193: {  	s0 =	simm.s32 $0x18400;
	(pc) =	sbr.rel @p0 .LBB2_1-.Ltmp8, $4  }
0x194: {  	[hbm4b:s7+s4] =	stream.linear.scatter [tilespmem:s0], [sflag:$0x7], $0x200, $0x38;
	[tilespmem:$0x18600] =	vst v63  }
0x195: {  	_ =	swait.ge [sflag:s30], $0x200  }
0x196: {  	[sflag:s30] =	ssyncset.done $0x0  }
0x197: {  	[sflag:s30] =	ssyncadd.s32 $0xFFFFFE00  }
0x198: {  	_ =	sfence.sel $0x180000  }
0x199: {  	[bflag:$0x0] =	sbarrier.arrive $0xFFFF  }
0x19a: {  	_ =	strace $0x90000047  }
0x19b: {  	s0 =	stileid.u32;
	[bflag:$0x2] =	sbarrier.arrive $0xFFFF  }
0x19c: {  	p0 =	sne.s32 s0, $0x0;
	s0 =	rddreg [dreg:$0x5]  }
0x19d: {  	s0 =	sadd.s32 @!p0 $0x100000, s0  }
0x19e: {  	[sflag:s0] =	ssyncadd.tile.s32 @!p0 $0x1;
	_ =	shalt  }
.Lfunc_end2:
_tile_overlayer_lowered:
.L_overlay_start_2:
0x19f: {  	(tag) =	ssettag $0x2  }
0x1a0: {  	s0 =	rddreg [dreg:$0x0];
	s2 =	stileid.u32  }
0x1a1: {  	s1 =	rddreg [dreg:$0x1];
	p0 =	sne.s32 s2, $0x0  }
0x1a2: {  	s3 =	rddreg [dreg:$0x2];
	[bflag:$0x3] =	sbarrier.arrive $0xFFFF;
	s2 =	simm.s32 @!p0 $0x1C07  }
0x1a3: {  	[timem:s3], [sflag:s2] =	dma.local @!p0 [hbm:s0], s1  }
0x1a4: {  	s0 =	simm.s32 @!p0 $0x7  }
0x1a5: {  	_ =	swait.ge @!p0 [sflag:s0], s1  }
0x1a6: {  	s1 =	ssub.s32 @!p0 $0x0, s1;
	[sflag:s0] =	ssyncset.done @!p0 $0x0  }
0x1a7: {  	[sflag:s0] =	ssyncadd.s32 @!p0 s1  }
0x1a8: {  	[bflag:$0x3] =	sbarrier.arrive $0xFFFF  }
0x1a9: {  	_ =	shalt  }

</sc_bundles>
